<compile_context>
chip_gen: v7x
topology: tpu7x:2x2x1
jax: 0.10.2.dev20260603
libtpu: 0.0.44.dev20260713+nightly
codegen_flags: <defaults>
</compile_context>

<pallas_src>
import functools
import math

import jax
import jax.numpy as jnp
from jax import lax
from jax.experimental import pallas as pl
from jax.experimental.pallas import tpu as pltpu
from jax.experimental.pallas import tpu_sc as plsc

B = 16384
J = 50
V = 1000000
D = 32
SCALE = math.sqrt(float(D))
NC = 2
NS = 16
NW = NC * NS
CHUNK = B // NW
LANES = 16

_mesh = plsc.VectorSubcoreMesh(core_axis_name="c", subcore_axis_name="s")


@functools.partial(
    pl.kernel,
    mesh=_mesh,
    out_type=jax.ShapeDtypeStruct((J, D // 8, B // 128, 8, 128), jnp.float32),
    compiler_params=pltpu.CompilerParams(
        use_tc_tiling_on_sc=False, needs_layout_passes=False
    ),
    scratch_types=[
        pltpu.VMEM((J, CHUNK), jnp.int32),
        pltpu.VMEM((CHUNK, D), jnp.float32),
        pltpu.VMEM((CHUNK, D), jnp.float32),
        pltpu.VMEM((D // 8, CHUNK // 128, 8, 130), jnp.float32),
        pltpu.SemaphoreType.DMA,
        pltpu.SemaphoreType.DMA,
    ],
)
def _emb_lookup(tok_hbm, table_hbm, out_hbm, idx_v, rows0, rows1, tile_v, sem0, sem1):
    wid = lax.axis_index("s") * NC + lax.axis_index("c")
    b0 = wid * CHUNK
    pltpu.sync_copy(tok_hbm.at[:, pl.ds(b0, CHUNK)], idx_v)

    bufs = (rows0, rows1)
    sems = (sem0, sem1)

    def gather(j, b):
        return pltpu.async_copy(table_hbm.at[idx_v.at[j]], bufs[b], sems[b])

    lv = lax.broadcasted_iota(jnp.int32, (LANES,), 0)
    r_lo = lv >> 3
    s_all = lv & 7

    def transform(buf):
        def t_body(i4, carry):
            for u in range(4):
                i = i4 * 4 + u
                cs = jnp.full((LANES,), i >> 7, jnp.int32)
                rs = jnp.full((LANES,), i & 127, jnp.int32)
                for h in (0, 16):
                    vec = buf[i, pl.ds(h, LANES)]
                    plsc.store_scatter(
                        tile_v, [r_lo + (h // 8), cs, s_all, rs], vec * SCALE
                    )
            return carry

        lax.fori_loop(0, CHUNK // 4, t_body, 0)

    gather(0, 0)

    def pair_body(p, carry):
        for b in (0, 1):
            j = 2 * p + b

            @pl.when(j + 1 < J)
            def _():
                gather(j + 1, 1 - b)

            pltpu.make_async_copy(
                table_hbm.at[idx_v.at[j]], bufs[b], sems[b]
            ).wait()
            transform(bufs[b])
            pltpu.sync_copy(
                tile_v.at[:, :, :, pl.ds(0, 128)],
                out_hbm.at[j, :, pl.ds(wid * (CHUNK // 128), CHUNK // 128)],
            )
        return carry

    lax.fori_loop(0, J // 2, pair_body, 0)


def kernel(tokens, table):
    tok_t = tokens.T.astype(jnp.int32)
    out5 = _emb_lookup(tok_t, table)
    return out5.transpose(2, 4, 0, 1, 3).reshape(B, J, D)

# --- scband reference (transcript-rebuilt; emitter-appended) ---
"""Pipeline reference for scband-token-embedding-49417893707797 (READ-ONLY COPY).

The authoritative reference and input builder live on the scoring server;
editing this copy changes nothing except your own understanding.
"""

import jax, jax.numpy as jnp
import numpy as np
import math

N_TOKENS = 1000000
EMB_SIZE = 32

def setup_inputs(seed: int = 0) -> dict:
    key = jax.random.key(seed)
    k1, k2 = jax.random.split(key)
    tokens = jax.random.randint(k1, (16384, 50), 0, N_TOKENS, dtype=jnp.int64 if jax.config.read('jax_enable_x64') else jnp.int32)
    table = jax.random.normal(k2, (N_TOKENS, EMB_SIZE), dtype=jnp.float32)
    return {"tokens": tokens, "table": table}

def reference(tokens, table):
    # TokenEmbedding.forward: embedding(tokens.long()) * sqrt(emb_size)
    emb = jnp.take(table, tokens, axis=0)
    return emb * math.sqrt(EMB_SIZE)

if __name__ == "__main__":
    import jax
    _d = setup_inputs()
    print(jax.jit(kernel)(*tuple(_d.values())))

</pallas_src>

<mosaic_0001>
#map = affine_map<(d0, d1) -> (0, 0)>
#map1 = affine_map<(d0, d1) -> (0, 0, 0, 0, 0)>
module attributes {stable_mosaic.version = 14 : i64} {
  func.func @_emb_lookup(%arg0: i32, %arg1: i32, %arg2: memref<50x16384xi32, #tpu.memory_space<hbm>>, %arg3: memref<1000000x32xf32, #tpu.memory_space<hbm>>, %arg4: memref<50x4x128x8x128xf32, #tpu.memory_space<hbm>>, %arg5: memref<50x512xi32, #tpu.memory_space<vmem>>, %arg6: memref<512x32xf32, #tpu.memory_space<vmem>>, %arg7: memref<512x32xf32, #tpu.memory_space<vmem>>, %arg8: memref<4x4x8x130xf32, #tpu.memory_space<vmem>>, %arg9: memref<!tpu.dma_semaphore, #tpu.memory_space<semaphore_mem>>, %arg10: memref<!tpu.dma_semaphore, #tpu.memory_space<semaphore_mem>>) attributes {dimension_semantics = [#tpu.dimension_semantics<core_parallel>, #tpu.dimension_semantics<subcore_parallel>], iteration_bounds = array<i64: 2, 16>, scalar_prefetch = 0 : i64, scratch_operands = 6 : i64, tpu.core_type = #tpu.core_type<sc_vector_subcore>, window_params = [{transform_indices = #map}, {transform_indices = #map}, {transform_indices = #map1}]} {
    %mul3A = arith.constant 2 : i32
    %mul3A_0 = arith.muli %arg1, %mul3A : i32
    %add3A = arith.addi %mul3A_0, %arg0 : i32
    %mul3A_1 = arith.constant 512 : i32
    %mul3A_2 = arith.muli %add3A, %mul3A_1 : i32
    "tpu.region"() ({
      %run_scoped3A = tpu.sem_alloc : memref<!tpu.dma_semaphore, #tpu.memory_space<semaphore_mem>>
      %dma_start3A_18 = arith.constant 0 : i32
      %dma_start3A_19 = tpu.memref_slice %arg2[%dma_start3A_18, %mul3A_2] : memref<50x16384xi32, #tpu.memory_space<hbm>> -> memref<50x512xi32, #tpu.memory_space<hbm>>
      %dma_start3A_20 = arith.constant 0 : i32
      %dma_start3A_21 = tpu.memref_slice %arg2[%dma_start3A_20, %mul3A_2] : memref<50x16384xi32, #tpu.memory_space<hbm>> -> memref<50x512xi32, #tpu.memory_space<hbm>>
      tpu.enqueue_dma source(%dma_start3A_21 : memref<50x512xi32, #tpu.memory_space<hbm>>) target(%arg5 : memref<50x512xi32, #tpu.memory_space<vmem>>) target_semaphore(%run_scoped3A : memref<!tpu.dma_semaphore, #tpu.memory_space<semaphore_mem>>)
      %dma_wait3A = arith.constant 0 : i32
      %dma_wait3A_22 = tpu.memref_slice %arg2[%dma_wait3A, %mul3A_2] : memref<50x16384xi32, #tpu.memory_space<hbm>> -> memref<50x512xi32, #tpu.memory_space<hbm>>
      %dma_wait3A_23 = arith.constant 0 : i32
      %dma_wait3A_24 = tpu.memref_slice %arg2[%dma_wait3A_23, %mul3A_2] : memref<50x16384xi32, #tpu.memory_space<hbm>> -> memref<50x512xi32, #tpu.memory_space<hbm>>
      tpu.wait_dma2 semaphore(%run_scoped3A : memref<!tpu.dma_semaphore, #tpu.memory_space<semaphore_mem>>) src(%dma_wait3A_24 : memref<50x512xi32, #tpu.memory_space<hbm>>) dst(%arg5 : memref<50x512xi32, #tpu.memory_space<vmem>>)
      tpu.yield
    }) : () -> ()
    %iota3A = tpu.iota {dimensions = array<i32: 0>} : vector<16xi32>
    %shift_right_arithmetic3A = arith.constant 3 : i32
    %shift_right_arithmetic3A_3 = vector.broadcast %shift_right_arithmetic3A : i32 to vector<16xi32>
    %shift_right_arithmetic3A_4 = arith.shrsi %iota3A, %shift_right_arithmetic3A_3 : vector<16xi32>
    %and3A = arith.constant 7 : i32
    %and3A_5 = vector.broadcast %and3A : i32 to vector<16xi32>
    %and3A_6 = arith.andi %iota3A, %and3A_5 : vector<16xi32>
    %dma_start3A = arith.constant 0 : i32
    %dma_start3A_7 = arith.constant 0 : i32
    %dma_start3A_8 = tpu.memref_slice %arg5[%dma_start3A, %dma_start3A_7] : memref<50x512xi32, #tpu.memory_space<vmem>> -> memref<1x512xi32, #tpu.memory_space<vmem>>
    %dma_start3A_9 = tpu.memref_squeeze %dma_start3A_8 : memref<1x512xi32, #tpu.memory_space<vmem>> -> memref<512xi32, #tpu.memory_space<vmem>>
    %dma_start3A_10 = arith.constant 0 : i32
    %dma_start3A_11 = arith.constant 0 : i32
    %dma_start3A_12 = tpu.memref_slice %arg3[%dma_start3A_10, %dma_start3A_11] : memref<1000000x32xf32, #tpu.memory_space<hbm>> -> memref<1000000x32xf32, #tpu.memory_space<hbm>>
    tpu.enqueue_indirect_dma source(%dma_start3A_12 : memref<1000000x32xf32, #tpu.memory_space<hbm>>) target(%arg6 : memref<512x32xf32, #tpu.memory_space<vmem>>) offsets(%dma_start3A_9 : memref<512xi32, #tpu.memory_space<vmem>>) semaphore(%arg9 : memref<!tpu.dma_semaphore, #tpu.memory_space<semaphore_mem>>)
    %scan3A = arith.constant 0 : i32
    %scan3A_13 = arith.constant 0 : i32
    %scan3A_14 = arith.constant 25 : i32
    %scan3A_15 = arith.addi %scan3A_13, %scan3A_14 : i32
    %scan3A_16 = arith.constant 1 : i32
    scf.for %scan3A_18 = %scan3A_13 to %scan3A_15 step %scan3A_16  : i32 {
      %mul3A_19 = arith.constant 2 : i32
      %mul3A_20 = arith.muli %mul3A_19, %scan3A_18 : i32
      %add3A_21 = arith.constant 0 : i32
      %add3A_22 = arith.addi %mul3A_20, %add3A_21 : i32
      %add3A_23 = arith.constant 1 : i32
      %add3A_24 = arith.addi %add3A_22, %add3A_23 : i32
      %lt3A = arith.constant 50 : i32
      %lt3A_25 = arith.cmpi slt, %add3A_24, %lt3A : i32
      %convert_element_type3A = arith.extui %lt3A_25 : i1 to i32
      %cond3A = arith.constant 0 : i32
      %cond3A_26 = arith.cmpi ne, %convert_element_type3A, %cond3A : i32
      scf.if %cond3A_26 {
        %add3A_65 = arith.constant 1 : i32
        %add3A_66 = arith.addi %add3A_22, %add3A_65 : i32
        %dma_start3A_67 = arith.constant 0 : i32
        %dma_start3A_68 = tpu.memref_slice %arg5[%add3A_66, %dma_start3A_67] : memref<50x512xi32, #tpu.memory_space<vmem>> -> memref<1x512xi32, #tpu.memory_space<vmem>>
        %dma_start3A_69 = tpu.memref_squeeze %dma_start3A_68 : memref<1x512xi32, #tpu.memory_space<vmem>> -> memref<512xi32, #tpu.memory_space<vmem>>
        %dma_start3A_70 = arith.constant 0 : i32
        %dma_start3A_71 = arith.constant 0 : i32
        %dma_start3A_72 = tpu.memref_slice %arg3[%dma_start3A_70, %dma_start3A_71] : memref<1000000x32xf32, #tpu.memory_space<hbm>> -> memref<1000000x32xf32, #tpu.memory_space<hbm>>
        tpu.enqueue_indirect_dma source(%dma_start3A_72 : memref<1000000x32xf32, #tpu.memory_space<hbm>>) target(%arg7 : memref<512x32xf32, #tpu.memory_space<vmem>>) offsets(%dma_start3A_69 : memref<512xi32, #tpu.memory_space<vmem>>) semaphore(%arg10 : memref<!tpu.dma_semaphore, #tpu.memory_space<semaphore_mem>>)
      } else {
      }
      %dma_wait3A = arith.constant 0 : i32
      %dma_wait3A_27 = tpu.memref_slice %arg5[%add3A_22, %dma_wait3A] : memref<50x512xi32, #tpu.memory_space<vmem>> -> memref<1x512xi32, #tpu.memory_space<vmem>>
      %dma_wait3A_28 = tpu.memref_squeeze %dma_wait3A_27 : memref<1x512xi32, #tpu.memory_space<vmem>> -> memref<512xi32, #tpu.memory_space<vmem>>
      %dma_wait3A_29 = arith.constant 0 : i32
      %dma_wait3A_30 = arith.constant 0 : i32
      %dma_wait3A_31 = tpu.memref_slice %arg3[%dma_wait3A_29, %dma_wait3A_30] : memref<1000000x32xf32, #tpu.memory_space<hbm>> -> memref<1000000x32xf32, #tpu.memory_space<hbm>>
      tpu.wait_indirect_dma semaphore(%arg9 : memref<!tpu.dma_semaphore, #tpu.memory_space<semaphore_mem>>) src(%dma_wait3A_31 : memref<1000000x32xf32, #tpu.memory_space<hbm>>) dst(%arg6 : memref<512x32xf32, #tpu.memory_space<vmem>>)
      %scan3A_32 = arith.constant 0 : i32
      %scan3A_33 = arith.constant 0 : i32
      %scan3A_34 = arith.constant 128 : i32
      %scan3A_35 = arith.addi %scan3A_33, %scan3A_34 : i32
      %scan3A_36 = arith.constant 1 : i32
      scf.for %scan3A_65 = %scan3A_33 to %scan3A_35 step %scan3A_36  : i32 {
        %mul3A_66 = arith.constant 4 : i32
        %mul3A_67 = arith.muli %scan3A_65, %mul3A_66 : i32
        %add3A_68 = arith.constant 0 : i32
        %add3A_69 = arith.addi %mul3A_67, %add3A_68 : i32
        %shift_right_arithmetic3A_70 = arith.constant 7 : i32
        %shift_right_arithmetic3A_71 = arith.shrsi %add3A_69, %shift_right_arithmetic3A_70 : i32
        %broadcast_in_dim3A = vector.broadcast %shift_right_arithmetic3A_71 : i32 to vector<16xi32>
        %and3A_72 = arith.constant 127 : i32
        %and3A_73 = arith.andi %add3A_69, %and3A_72 : i32
        %broadcast_in_dim3A_74 = vector.broadcast %and3A_73 : i32 to vector<16xi32>
        %get3A = arith.index_cast %add3A_69 : i32 to index
        %get3A_75 = arith.constant 0 : index
        %get3A_76 = tpu.vector_load %arg6[%get3A, %get3A_75] {strides = array<i32>} : memref<512x32xf32, #tpu.memory_space<vmem>>, vector<16xf32>,
        %add3A_77 = arith.constant 0 : i32
        %add3A_78 = vector.broadcast %add3A_77 : i32 to vector<16xi32>
        %add3A_79 = arith.addi %shift_right_arithmetic3A_4, %add3A_78 : vector<16xi32>
        %mul3A_80 = arith.constant 5.65685415 : f32
        %mul3A_81 = vector.broadcast %mul3A_80 : f32 to vector<16xf32>
        %mul3A_82 = arith.mulf %get3A_76, %mul3A_81 : vector<16xf32>
        tpu.vector_store_idx %arg8[%add3A_79, %broadcast_in_dim3A, %and3A_6, %broadcast_in_dim3A_74], %mul3A_82 : memref<4x4x8x130xf32, #tpu.memory_space<vmem>>[vector<16xi32>, vector<16xi32>, vector<16xi32>, vector<16xi32>], vector<16xf32>,
        %get3A_83 = arith.index_cast %add3A_69 : i32 to index
        %get3A_84 = arith.constant 16 : index
        %get3A_85 = tpu.vector_load %arg6[%get3A_83, %get3A_84] {strides = array<i32>} : memref<512x32xf32, #tpu.memory_space<vmem>>, vector<16xf32>,
        %add3A_86 = arith.constant 2 : i32
        %add3A_87 = vector.broadcast %add3A_86 : i32 to vector<16xi32>
        %add3A_88 = arith.addi %shift_right_arithmetic3A_4, %add3A_87 : vector<16xi32>
        %mul3A_89 = arith.constant 5.65685415 : f32
        %mul3A_90 = vector.broadcast %mul3A_89 : f32 to vector<16xf32>
        %mul3A_91 = arith.mulf %get3A_85, %mul3A_90 : vector<16xf32>
        tpu.vector_store_idx %arg8[%add3A_88, %broadcast_in_dim3A, %and3A_6, %broadcast_in_dim3A_74], %mul3A_91 : memref<4x4x8x130xf32, #tpu.memory_space<vmem>>[vector<16xi32>, vector<16xi32>, vector<16xi32>, vector<16xi32>], vector<16xf32>,
        %mul3A_92 = arith.constant 4 : i32
        %mul3A_93 = arith.muli %scan3A_65, %mul3A_92 : i32
        %add3A_94 = arith.constant 1 : i32
        %add3A_95 = arith.addi %mul3A_93, %add3A_94 : i32
        %shift_right_arithmetic3A_96 = arith.constant 7 : i32
        %shift_right_arithmetic3A_97 = arith.shrsi %add3A_95, %shift_right_arithmetic3A_96 : i32
        %broadcast_in_dim3A_98 = vector.broadcast %shift_right_arithmetic3A_97 : i32 to vector<16xi32>
        %and3A_99 = arith.constant 127 : i32
        %and3A_100 = arith.andi %add3A_95, %and3A_99 : i32
        %broadcast_in_dim3A_101 = vector.broadcast %and3A_100 : i32 to vector<16xi32>
        %get3A_102 = arith.index_cast %add3A_95 : i32 to index
        %get3A_103 = arith.constant 0 : index
        %get3A_104 = tpu.vector_load %arg6[%get3A_102, %get3A_103] {strides = array<i32>} : memref<512x32xf32, #tpu.memory_space<vmem>>, vector<16xf32>,
        %add3A_105 = arith.constant 0 : i32
        %add3A_106 = vector.broadcast %add3A_105 : i32 to vector<16xi32>
        %add3A_107 = arith.addi %shift_right_arithmetic3A_4, %add3A_106 : vector<16xi32>
        %mul3A_108 = arith.constant 5.65685415 : f32
        %mul3A_109 = vector.broadcast %mul3A_108 : f32 to vector<16xf32>
        %mul3A_110 = arith.mulf %get3A_104, %mul3A_109 : vector<16xf32>
        tpu.vector_store_idx %arg8[%add3A_107, %broadcast_in_dim3A_98, %and3A_6, %broadcast_in_dim3A_101], %mul3A_110 : memref<4x4x8x130xf32, #tpu.memory_space<vmem>>[vector<16xi32>, vector<16xi32>, vector<16xi32>, vector<16xi32>], vector<16xf32>,
        %get3A_111 = arith.index_cast %add3A_95 : i32 to index
        %get3A_112 = arith.constant 16 : index
        %get3A_113 = tpu.vector_load %arg6[%get3A_111, %get3A_112] {strides = array<i32>} : memref<512x32xf32, #tpu.memory_space<vmem>>, vector<16xf32>,
        %add3A_114 = arith.constant 2 : i32
        %add3A_115 = vector.broadcast %add3A_114 : i32 to vector<16xi32>
        %add3A_116 = arith.addi %shift_right_arithmetic3A_4, %add3A_115 : vector<16xi32>
        %mul3A_117 = arith.constant 5.65685415 : f32
        %mul3A_118 = vector.broadcast %mul3A_117 : f32 to vector<16xf32>
        %mul3A_119 = arith.mulf %get3A_113, %mul3A_118 : vector<16xf32>
        tpu.vector_store_idx %arg8[%add3A_116, %broadcast_in_dim3A_98, %and3A_6, %broadcast_in_dim3A_101], %mul3A_119 : memref<4x4x8x130xf32, #tpu.memory_space<vmem>>[vector<16xi32>, vector<16xi32>, vector<16xi32>, vector<16xi32>], vector<16xf32>,
        %mul3A_120 = arith.constant 4 : i32
        %mul3A_121 = arith.muli %scan3A_65, %mul3A_120 : i32
        %add3A_122 = arith.constant 2 : i32
        %add3A_123 = arith.addi %mul3A_121, %add3A_122 : i32
        %shift_right_arithmetic3A_124 = arith.constant 7 : i32
        %shift_right_arithmetic3A_125 = arith.shrsi %add3A_123, %shift_right_arithmetic3A_124 : i32
        %broadcast_in_dim3A_126 = vector.broadcast %shift_right_arithmetic3A_125 : i32 to vector<16xi32>
        %and3A_127 = arith.constant 127 : i32
        %and3A_128 = arith.andi %add3A_123, %and3A_127 : i32
        %broadcast_in_dim3A_129 = vector.broadcast %and3A_128 : i32 to vector<16xi32>
        %get3A_130 = arith.index_cast %add3A_123 : i32 to index
        %get3A_131 = arith.constant 0 : index
        %get3A_132 = tpu.vector_load %arg6[%get3A_130, %get3A_131] {strides = array<i32>} : memref<512x32xf32, #tpu.memory_space<vmem>>, vector<16xf32>,
        %add3A_133 = arith.constant 0 : i32
        %add3A_134 = vector.broadcast %add3A_133 : i32 to vector<16xi32>
        %add3A_135 = arith.addi %shift_right_arithmetic3A_4, %add3A_134 : vector<16xi32>
        %mul3A_136 = arith.constant 5.65685415 : f32
        %mul3A_137 = vector.broadcast %mul3A_136 : f32 to vector<16xf32>
        %mul3A_138 = arith.mulf %get3A_132, %mul3A_137 : vector<16xf32>
        tpu.vector_store_idx %arg8[%add3A_135, %broadcast_in_dim3A_126, %and3A_6, %broadcast_in_dim3A_129], %mul3A_138 : memref<4x4x8x130xf32, #tpu.memory_space<vmem>>[vector<16xi32>, vector<16xi32>, vector<16xi32>, vector<16xi32>], vector<16xf32>,
        %get3A_139 = arith.index_cast %add3A_123 : i32 to index
        %get3A_140 = arith.constant 16 : index
        %get3A_141 = tpu.vector_load %arg6[%get3A_139, %get3A_140] {strides = array<i32>} : memref<512x32xf32, #tpu.memory_space<vmem>>, vector<16xf32>,
        %add3A_142 = arith.constant 2 : i32
        %add3A_143 = vector.broadcast %add3A_142 : i32 to vector<16xi32>
        %add3A_144 = arith.addi %shift_right_arithmetic3A_4, %add3A_143 : vector<16xi32>
        %mul3A_145 = arith.constant 5.65685415 : f32
        %mul3A_146 = vector.broadcast %mul3A_145 : f32 to vector<16xf32>
        %mul3A_147 = arith.mulf %get3A_141, %mul3A_146 : vector<16xf32>
        tpu.vector_store_idx %arg8[%add3A_144, %broadcast_in_dim3A_126, %and3A_6, %broadcast_in_dim3A_129], %mul3A_147 : memref<4x4x8x130xf32, #tpu.memory_space<vmem>>[vector<16xi32>, vector<16xi32>, vector<16xi32>, vector<16xi32>], vector<16xf32>,
        %mul3A_148 = arith.constant 4 : i32
        %mul3A_149 = arith.muli %scan3A_65, %mul3A_148 : i32
        %add3A_150 = arith.constant 3 : i32
        %add3A_151 = arith.addi %mul3A_149, %add3A_150 : i32
        %shift_right_arithmetic3A_152 = arith.constant 7 : i32
        %shift_right_arithmetic3A_153 = arith.shrsi %add3A_151, %shift_right_arithmetic3A_152 : i32
        %broadcast_in_dim3A_154 = vector.broadcast %shift_right_arithmetic3A_153 : i32 to vector<16xi32>
        %and3A_155 = arith.constant 127 : i32
        %and3A_156 = arith.andi %add3A_151, %and3A_155 : i32
        %broadcast_in_dim3A_157 = vector.broadcast %and3A_156 : i32 to vector<16xi32>
        %get3A_158 = arith.index_cast %add3A_151 : i32 to index
        %get3A_159 = arith.constant 0 : index
        %get3A_160 = tpu.vector_load %arg6[%get3A_158, %get3A_159] {strides = array<i32>} : memref<512x32xf32, #tpu.memory_space<vmem>>, vector<16xf32>,
        %add3A_161 = arith.constant 0 : i32
        %add3A_162 = vector.broadcast %add3A_161 : i32 to vector<16xi32>
        %add3A_163 = arith.addi %shift_right_arithmetic3A_4, %add3A_162 : vector<16xi32>
        %mul3A_164 = arith.constant 5.65685415 : f32
        %mul3A_165 = vector.broadcast %mul3A_164 : f32 to vector<16xf32>
        %mul3A_166 = arith.mulf %get3A_160, %mul3A_165 : vector<16xf32>
        tpu.vector_store_idx %arg8[%add3A_163, %broadcast_in_dim3A_154, %and3A_6, %broadcast_in_dim3A_157], %mul3A_166 : memref<4x4x8x130xf32, #tpu.memory_space<vmem>>[vector<16xi32>, vector<16xi32>, vector<16xi32>, vector<16xi32>], vector<16xf32>,
        %get3A_167 = arith.index_cast %add3A_151 : i32 to index
        %get3A_168 = arith.constant 16 : index
        %get3A_169 = tpu.vector_load %arg6[%get3A_167, %get3A_168] {strides = array<i32>} : memref<512x32xf32, #tpu.memory_space<vmem>>, vector<16xf32>,
        %add3A_170 = arith.constant 2 : i32
        %add3A_171 = vector.broadcast %add3A_170 : i32 to vector<16xi32>
        %add3A_172 = arith.addi %shift_right_arithmetic3A_4, %add3A_171 : vector<16xi32>
        %mul3A_173 = arith.constant 5.65685415 : f32
        %mul3A_174 = vector.broadcast %mul3A_173 : f32 to vector<16xf32>
        %mul3A_175 = arith.mulf %get3A_169, %mul3A_174 : vector<16xf32>
        tpu.vector_store_idx %arg8[%add3A_172, %broadcast_in_dim3A_154, %and3A_6, %broadcast_in_dim3A_157], %mul3A_175 : memref<4x4x8x130xf32, #tpu.memory_space<vmem>>[vector<16xi32>, vector<16xi32>, vector<16xi32>, vector<16xi32>], vector<16xf32>,
      }
      %scan3A_37 = arith.constant 128 : i32
      %mul3A_38 = arith.constant 4 : i32
      %mul3A_39 = arith.muli %add3A, %mul3A_38 : i32
      "tpu.region"() ({
        %run_scoped3A = tpu.sem_alloc : memref<!tpu.dma_semaphore, #tpu.memory_space<semaphore_mem>>
        %dma_start3A_65 = arith.constant 0 : i32
        %dma_start3A_66 = arith.constant 0 : i32
        %dma_start3A_67 = arith.constant 0 : i32
        %dma_start3A_68 = arith.constant 0 : i32
        %dma_start3A_69 = tpu.memref_slice %arg8[%dma_start3A_65, %dma_start3A_66, %dma_start3A_67, %dma_start3A_68] : memref<4x4x8x130xf32, #tpu.memory_space<vmem>> -> memref<4x4x8x128xf32, #tpu.memory_space<vmem>>
        %dma_start3A_70 = arith.constant 0 : i32
        %dma_start3A_71 = arith.constant 0 : i32
        %dma_start3A_72 = arith.constant 0 : i32
        %dma_start3A_73 = tpu.memref_slice %arg4[%add3A_22, %dma_start3A_70, %mul3A_39, %dma_start3A_71, %dma_start3A_72] : memref<50x4x128x8x128xf32, #tpu.memory_space<hbm>> -> memref<1x4x4x8x128xf32, #tpu.memory_space<hbm>>
        %dma_start3A_74 = tpu.memref_squeeze %dma_start3A_73 : memref<1x4x4x8x128xf32, #tpu.memory_space<hbm>> -> memref<4x4x8x128xf32, #tpu.memory_space<hbm>>
        %dma_start3A_75 = arith.constant 0 : i32
        %dma_start3A_76 = arith.constant 0 : i32
        %dma_start3A_77 = arith.constant 0 : i32
        %dma_start3A_78 = tpu.memref_slice %arg4[%add3A_22, %dma_start3A_75, %mul3A_39, %dma_start3A_76, %dma_start3A_77] : memref<50x4x128x8x128xf32, #tpu.memory_space<hbm>> -> memref<1x4x4x8x128xf32, #tpu.memory_space<hbm>>
        %dma_start3A_79 = tpu.memref_squeeze %dma_start3A_78 : memref<1x4x4x8x128xf32, #tpu.memory_space<hbm>> -> memref<4x4x8x128xf32, #tpu.memory_space<hbm>>
        %dma_start3A_80 = arith.constant 0 : i32
        %dma_start3A_81 = arith.constant 0 : i32
        %dma_start3A_82 = arith.constant 0 : i32
        %dma_start3A_83 = arith.constant 0 : i32
        %dma_start3A_84 = tpu.memref_slice %arg8[%dma_start3A_80, %dma_start3A_81, %dma_start3A_82, %dma_start3A_83] : memref<4x4x8x130xf32, #tpu.memory_space<vmem>> -> memref<4x4x8x128xf32, #tpu.memory_space<vmem>>
        tpu.enqueue_dma source(%dma_start3A_84 : memref<4x4x8x128xf32, #tpu.memory_space<vmem>>) target(%dma_start3A_79 : memref<4x4x8x128xf32, #tpu.memory_space<hbm>>) target_semaphore(%run_scoped3A : memref<!tpu.dma_semaphore, #tpu.memory_space<semaphore_mem>>)
        %dma_wait3A_85 = arith.constant 0 : i32
        %dma_wait3A_86 = arith.constant 0 : i32
        %dma_wait3A_87 = arith.constant 0 : i32
        %dma_wait3A_88 = arith.constant 0 : i32
        %dma_wait3A_89 = tpu.memref_slice %arg8[%dma_wait3A_85, %dma_wait3A_86, %dma_wait3A_87, %dma_wait3A_88] : memref<4x4x8x130xf32, #tpu.memory_space<vmem>> -> memref<4x4x8x128xf32, #tpu.memory_space<vmem>>
        %dma_wait3A_90 = arith.constant 0 : i32
        %dma_wait3A_91 = arith.constant 0 : i32
        %dma_wait3A_92 = arith.constant 0 : i32
        %dma_wait3A_93 = tpu.memref_slice %arg4[%add3A_22, %dma_wait3A_90, %mul3A_39, %dma_wait3A_91, %dma_wait3A_92] : memref<50x4x128x8x128xf32, #tpu.memory_space<hbm>> -> memref<1x4x4x8x128xf32, #tpu.memory_space<hbm>>
        %dma_wait3A_94 = tpu.memref_squeeze %dma_wait3A_93 : memref<1x4x4x8x128xf32, #tpu.memory_space<hbm>> -> memref<4x4x8x128xf32, #tpu.memory_space<hbm>>
        %dma_wait3A_95 = arith.constant 0 : i32
        %dma_wait3A_96 = arith.constant 0 : i32
        %dma_wait3A_97 = arith.constant 0 : i32
        %dma_wait3A_98 = tpu.memref_slice %arg4[%add3A_22, %dma_wait3A_95, %mul3A_39, %dma_wait3A_96, %dma_wait3A_97] : memref<50x4x128x8x128xf32, #tpu.memory_space<hbm>> -> memref<1x4x4x8x128xf32, #tpu.memory_space<hbm>>
        %dma_wait3A_99 = tpu.memref_squeeze %dma_wait3A_98 : memref<1x4x4x8x128xf32, #tpu.memory_space<hbm>> -> memref<4x4x8x128xf32, #tpu.memory_space<hbm>>
        %dma_wait3A_100 = arith.constant 0 : i32
        %dma_wait3A_101 = arith.constant 0 : i32
        %dma_wait3A_102 = arith.constant 0 : i32
        %dma_wait3A_103 = arith.constant 0 : i32
        %dma_wait3A_104 = tpu.memref_slice %arg8[%dma_wait3A_100, %dma_wait3A_101, %dma_wait3A_102, %dma_wait3A_103] : memref<4x4x8x130xf32, #tpu.memory_space<vmem>> -> memref<4x4x8x128xf32, #tpu.memory_space<vmem>>
        tpu.wait_dma2 semaphore(%run_scoped3A : memref<!tpu.dma_semaphore, #tpu.memory_space<semaphore_mem>>) src(%dma_wait3A_104 : memref<4x4x8x128xf32, #tpu.memory_space<vmem>>) dst(%dma_wait3A_99 : memref<4x4x8x128xf32, #tpu.memory_space<hbm>>)
        tpu.yield
      }) : () -> ()
      %mul3A_40 = arith.constant 2 : i32
      %mul3A_41 = arith.muli %mul3A_40, %scan3A_18 : i32
      %add3A_42 = arith.constant 1 : i32
      %add3A_43 = arith.addi %mul3A_41, %add3A_42 : i32
      %add3A_44 = arith.constant 1 : i32
      %add3A_45 = arith.addi %add3A_43, %add3A_44 : i32
      %lt3A_46 = arith.constant 50 : i32
      %lt3A_47 = arith.cmpi slt, %add3A_45, %lt3A_46 : i32
      %convert_element_type3A_48 = arith.extui %lt3A_47 : i1 to i32
      %cond3A_49 = arith.constant 0 : i32
      %cond3A_50 = arith.cmpi ne, %convert_element_type3A_48, %cond3A_49 : i32
      scf.if %cond3A_50 {
        %add3A_65 = arith.constant 1 : i32
        %add3A_66 = arith.addi %add3A_43, %add3A_65 : i32
        %dma_start3A_67 = arith.constant 0 : i32
        %dma_start3A_68 = tpu.memref_slice %arg5[%add3A_66, %dma_start3A_67] : memref<50x512xi32, #tpu.memory_space<vmem>> -> memref<1x512xi32, #tpu.memory_space<vmem>>
        %dma_start3A_69 = tpu.memref_squeeze %dma_start3A_68 : memref<1x512xi32, #tpu.memory_space<vmem>> -> memref<512xi32, #tpu.memory_space<vmem>>
        %dma_start3A_70 = arith.constant 0 : i32
        %dma_start3A_71 = arith.constant 0 : i32
        %dma_start3A_72 = tpu.memref_slice %arg3[%dma_start3A_70, %dma_start3A_71] : memref<1000000x32xf32, #tpu.memory_space<hbm>> -> memref<1000000x32xf32, #tpu.memory_space<hbm>>
        tpu.enqueue_indirect_dma source(%dma_start3A_72 : memref<1000000x32xf32, #tpu.memory_space<hbm>>) target(%arg6 : memref<512x32xf32, #tpu.memory_space<vmem>>) offsets(%dma_start3A_69 : memref<512xi32, #tpu.memory_space<vmem>>) semaphore(%arg9 : memref<!tpu.dma_semaphore, #tpu.memory_space<semaphore_mem>>)
      } else {
      }
      %dma_wait3A_51 = arith.constant 0 : i32
      %dma_wait3A_52 = tpu.memref_slice %arg5[%add3A_43, %dma_wait3A_51] : memref<50x512xi32, #tpu.memory_space<vmem>> -> memref<1x512xi32, #tpu.memory_space<vmem>>
      %dma_wait3A_53 = tpu.memref_squeeze %dma_wait3A_52 : memref<1x512xi32, #tpu.memory_space<vmem>> -> memref<512xi32, #tpu.memory_space<vmem>>
      %dma_wait3A_54 = arith.constant 0 : i32
      %dma_wait3A_55 = arith.constant 0 : i32
      %dma_wait3A_56 = tpu.memref_slice %arg3[%dma_wait3A_54, %dma_wait3A_55] : memref<1000000x32xf32, #tpu.memory_space<hbm>> -> memref<1000000x32xf32, #tpu.memory_space<hbm>>
      tpu.wait_indirect_dma semaphore(%arg10 : memref<!tpu.dma_semaphore, #tpu.memory_space<semaphore_mem>>) src(%dma_wait3A_56 : memref<1000000x32xf32, #tpu.memory_space<hbm>>) dst(%arg7 : memref<512x32xf32, #tpu.memory_space<vmem>>)
      %scan3A_57 = arith.constant 0 : i32
      %scan3A_58 = arith.constant 0 : i32
      %scan3A_59 = arith.constant 128 : i32
      %scan3A_60 = arith.addi %scan3A_58, %scan3A_59 : i32
      %scan3A_61 = arith.constant 1 : i32
      scf.for %scan3A_65 = %scan3A_58 to %scan3A_60 step %scan3A_61  : i32 {
        %mul3A_66 = arith.constant 4 : i32
        %mul3A_67 = arith.muli %scan3A_65, %mul3A_66 : i32
        %add3A_68 = arith.constant 0 : i32
        %add3A_69 = arith.addi %mul3A_67, %add3A_68 : i32
        %shift_right_arithmetic3A_70 = arith.constant 7 : i32
        %shift_right_arithmetic3A_71 = arith.shrsi %add3A_69, %shift_right_arithmetic3A_70 : i32
        %broadcast_in_dim3A = vector.broadcast %shift_right_arithmetic3A_71 : i32 to vector<16xi32>
        %and3A_72 = arith.constant 127 : i32
        %and3A_73 = arith.andi %add3A_69, %and3A_72 : i32
        %broadcast_in_dim3A_74 = vector.broadcast %and3A_73 : i32 to vector<16xi32>
        %get3A = arith.index_cast %add3A_69 : i32 to index
        %get3A_75 = arith.constant 0 : index
        %get3A_76 = tpu.vector_load %arg7[%get3A, %get3A_75] {strides = array<i32>} : memref<512x32xf32, #tpu.memory_space<vmem>>, vector<16xf32>,
        %add3A_77 = arith.constant 0 : i32
        %add3A_78 = vector.broadcast %add3A_77 : i32 to vector<16xi32>
        %add3A_79 = arith.addi %shift_right_arithmetic3A_4, %add3A_78 : vector<16xi32>
        %mul3A_80 = arith.constant 5.65685415 : f32
        %mul3A_81 = vector.broadcast %mul3A_80 : f32 to vector<16xf32>
        %mul3A_82 = arith.mulf %get3A_76, %mul3A_81 : vector<16xf32>
        tpu.vector_store_idx %arg8[%add3A_79, %broadcast_in_dim3A, %and3A_6, %broadcast_in_dim3A_74], %mul3A_82 : memref<4x4x8x130xf32, #tpu.memory_space<vmem>>[vector<16xi32>, vector<16xi32>, vector<16xi32>, vector<16xi32>], vector<16xf32>,
        %get3A_83 = arith.index_cast %add3A_69 : i32 to index
        %get3A_84 = arith.constant 16 : index
        %get3A_85 = tpu.vector_load %arg7[%get3A_83, %get3A_84] {strides = array<i32>} : memref<512x32xf32, #tpu.memory_space<vmem>>, vector<16xf32>,
        %add3A_86 = arith.constant 2 : i32
        %add3A_87 = vector.broadcast %add3A_86 : i32 to vector<16xi32>
        %add3A_88 = arith.addi %shift_right_arithmetic3A_4, %add3A_87 : vector<16xi32>
        %mul3A_89 = arith.constant 5.65685415 : f32
        %mul3A_90 = vector.broadcast %mul3A_89 : f32 to vector<16xf32>
        %mul3A_91 = arith.mulf %get3A_85, %mul3A_90 : vector<16xf32>
        tpu.vector_store_idx %arg8[%add3A_88, %broadcast_in_dim3A, %and3A_6, %broadcast_in_dim3A_74], %mul3A_91 : memref<4x4x8x130xf32, #tpu.memory_space<vmem>>[vector<16xi32>, vector<16xi32>, vector<16xi32>, vector<16xi32>], vector<16xf32>,
        %mul3A_92 = arith.constant 4 : i32
        %mul3A_93 = arith.muli %scan3A_65, %mul3A_92 : i32
        %add3A_94 = arith.constant 1 : i32
        %add3A_95 = arith.addi %mul3A_93, %add3A_94 : i32
        %shift_right_arithmetic3A_96 = arith.constant 7 : i32
        %shift_right_arithmetic3A_97 = arith.shrsi %add3A_95, %shift_right_arithmetic3A_96 : i32
        %broadcast_in_dim3A_98 = vector.broadcast %shift_right_arithmetic3A_97 : i32 to vector<16xi32>
        %and3A_99 = arith.constant 127 : i32
        %and3A_100 = arith.andi %add3A_95, %and3A_99 : i32
        %broadcast_in_dim3A_101 = vector.broadcast %and3A_100 : i32 to vector<16xi32>
        %get3A_102 = arith.index_cast %add3A_95 : i32 to index
        %get3A_103 = arith.constant 0 : index
        %get3A_104 = tpu.vector_load %arg7[%get3A_102, %get3A_103] {strides = array<i32>} : memref<512x32xf32, #tpu.memory_space<vmem>>, vector<16xf32>,
        %add3A_105 = arith.constant 0 : i32
        %add3A_106 = vector.broadcast %add3A_105 : i32 to vector<16xi32>
        %add3A_107 = arith.addi %shift_right_arithmetic3A_4, %add3A_106 : vector<16xi32>
        %mul3A_108 = arith.constant 5.65685415 : f32
        %mul3A_109 = vector.broadcast %mul3A_108 : f32 to vector<16xf32>
        %mul3A_110 = arith.mulf %get3A_104, %mul3A_109 : vector<16xf32>
        tpu.vector_store_idx %arg8[%add3A_107, %broadcast_in_dim3A_98, %and3A_6, %broadcast_in_dim3A_101], %mul3A_110 : memref<4x4x8x130xf32, #tpu.memory_space<vmem>>[vector<16xi32>, vector<16xi32>, vector<16xi32>, vector<16xi32>], vector<16xf32>,
        %get3A_111 = arith.index_cast %add3A_95 : i32 to index
        %get3A_112 = arith.constant 16 : index
        %get3A_113 = tpu.vector_load %arg7[%get3A_111, %get3A_112] {strides = array<i32>} : memref<512x32xf32, #tpu.memory_space<vmem>>, vector<16xf32>,
        %add3A_114 = arith.constant 2 : i32
        %add3A_115 = vector.broadcast %add3A_114 : i32 to vector<16xi32>
        %add3A_116 = arith.addi %shift_right_arithmetic3A_4, %add3A_115 : vector<16xi32>
        %mul3A_117 = arith.constant 5.65685415 : f32
        %mul3A_118 = vector.broadcast %mul3A_117 : f32 to vector<16xf32>
        %mul3A_119 = arith.mulf %get3A_113, %mul3A_118 : vector<16xf32>
        tpu.vector_store_idx %arg8[%add3A_116, %broadcast_in_dim3A_98, %and3A_6, %broadcast_in_dim3A_101], %mul3A_119 : memref<4x4x8x130xf32, #tpu.memory_space<vmem>>[vector<16xi32>, vector<16xi32>, vector<16xi32>, vector<16xi32>], vector<16xf32>,
        %mul3A_120 = arith.constant 4 : i32
        %mul3A_121 = arith.muli %scan3A_65, %mul3A_120 : i32
        %add3A_122 = arith.constant 2 : i32
        %add3A_123 = arith.addi %mul3A_121, %add3A_122 : i32
        %shift_right_arithmetic3A_124 = arith.constant 7 : i32
        %shift_right_arithmetic3A_125 = arith.shrsi %add3A_123, %shift_right_arithmetic3A_124 : i32
        %broadcast_in_dim3A_126 = vector.broadcast %shift_right_arithmetic3A_125 : i32 to vector<16xi32>
        %and3A_127 = arith.constant 127 : i32
        %and3A_128 = arith.andi %add3A_123, %and3A_127 : i32
        %broadcast_in_dim3A_129 = vector.broadcast %and3A_128 : i32 to vector<16xi32>
        %get3A_130 = arith.index_cast %add3A_123 : i32 to index
        %get3A_131 = arith.constant 0 : index
        %get3A_132 = tpu.vector_load %arg7[%get3A_130, %get3A_131] {strides = array<i32>} : memref<512x32xf32, #tpu.memory_space<vmem>>, vector<16xf32>,
        %add3A_133 = arith.constant 0 : i32
        %add3A_134 = vector.broadcast %add3A_133 : i32 to vector<16xi32>
        %add3A_135 = arith.addi %shift_right_arithmetic3A_4, %add3A_134 : vector<16xi32>
        %mul3A_136 = arith.constant 5.65685415 : f32
        %mul3A_137 = vector.broadcast %mul3A_136 : f32 to vector<16xf32>
        %mul3A_138 = arith.mulf %get3A_132, %mul3A_137 : vector<16xf32>
        tpu.vector_store_idx %arg8[%add3A_135, %broadcast_in_dim3A_126, %and3A_6, %broadcast_in_dim3A_129], %mul3A_138 : memref<4x4x8x130xf32, #tpu.memory_space<vmem>>[vector<16xi32>, vector<16xi32>, vector<16xi32>, vector<16xi32>], vector<16xf32>,
        %get3A_139 = arith.index_cast %add3A_123 : i32 to index
        %get3A_140 = arith.constant 16 : index
        %get3A_141 = tpu.vector_load %arg7[%get3A_139, %get3A_140] {strides = array<i32>} : memref<512x32xf32, #tpu.memory_space<vmem>>, vector<16xf32>,
        %add3A_142 = arith.constant 2 : i32
        %add3A_143 = vector.broadcast %add3A_142 : i32 to vector<16xi32>
        %add3A_144 = arith.addi %shift_right_arithmetic3A_4, %add3A_143 : vector<16xi32>
        %mul3A_145 = arith.constant 5.65685415 : f32
        %mul3A_146 = vector.broadcast %mul3A_145 : f32 to vector<16xf32>
        %mul3A_147 = arith.mulf %get3A_141, %mul3A_146 : vector<16xf32>
        tpu.vector_store_idx %arg8[%add3A_144, %broadcast_in_dim3A_126, %and3A_6, %broadcast_in_dim3A_129], %mul3A_147 : memref<4x4x8x130xf32, #tpu.memory_space<vmem>>[vector<16xi32>, vector<16xi32>, vector<16xi32>, vector<16xi32>], vector<16xf32>,
        %mul3A_148 = arith.constant 4 : i32
        %mul3A_149 = arith.muli %scan3A_65, %mul3A_148 : i32
        %add3A_150 = arith.constant 3 : i32
        %add3A_151 = arith.addi %mul3A_149, %add3A_150 : i32
        %shift_right_arithmetic3A_152 = arith.constant 7 : i32
        %shift_right_arithmetic3A_153 = arith.shrsi %add3A_151, %shift_right_arithmetic3A_152 : i32
        %broadcast_in_dim3A_154 = vector.broadcast %shift_right_arithmetic3A_153 : i32 to vector<16xi32>
        %and3A_155 = arith.constant 127 : i32
        %and3A_156 = arith.andi %add3A_151, %and3A_155 : i32
        %broadcast_in_dim3A_157 = vector.broadcast %and3A_156 : i32 to vector<16xi32>
        %get3A_158 = arith.index_cast %add3A_151 : i32 to index
        %get3A_159 = arith.constant 0 : index
        %get3A_160 = tpu.vector_load %arg7[%get3A_158, %get3A_159] {strides = array<i32>} : memref<512x32xf32, #tpu.memory_space<vmem>>, vector<16xf32>,
        %add3A_161 = arith.constant 0 : i32
        %add3A_162 = vector.broadcast %add3A_161 : i32 to vector<16xi32>
        %add3A_163 = arith.addi %shift_right_arithmetic3A_4, %add3A_162 : vector<16xi32>
        %mul3A_164 = arith.constant 5.65685415 : f32
        %mul3A_165 = vector.broadcast %mul3A_164 : f32 to vector<16xf32>
        %mul3A_166 = arith.mulf %get3A_160, %mul3A_165 : vector<16xf32>
        tpu.vector_store_idx %arg8[%add3A_163, %broadcast_in_dim3A_154, %and3A_6, %broadcast_in_dim3A_157], %mul3A_166 : memref<4x4x8x130xf32, #tpu.memory_space<vmem>>[vector<16xi32>, vector<16xi32>, vector<16xi32>, vector<16xi32>], vector<16xf32>,
        %get3A_167 = arith.index_cast %add3A_151 : i32 to index
        %get3A_168 = arith.constant 16 : index
        %get3A_169 = tpu.vector_load %arg7[%get3A_167, %get3A_168] {strides = array<i32>} : memref<512x32xf32, #tpu.memory_space<vmem>>, vector<16xf32>,
        %add3A_170 = arith.constant 2 : i32
        %add3A_171 = vector.broadcast %add3A_170 : i32 to vector<16xi32>
        %add3A_172 = arith.addi %shift_right_arithmetic3A_4, %add3A_171 : vector<16xi32>
        %mul3A_173 = arith.constant 5.65685415 : f32
        %mul3A_174 = vector.broadcast %mul3A_173 : f32 to vector<16xf32>
        %mul3A_175 = arith.mulf %get3A_169, %mul3A_174 : vector<16xf32>
        tpu.vector_store_idx %arg8[%add3A_172, %broadcast_in_dim3A_154, %and3A_6, %broadcast_in_dim3A_157], %mul3A_175 : memref<4x4x8x130xf32, #tpu.memory_space<vmem>>[vector<16xi32>, vector<16xi32>, vector<16xi32>, vector<16xi32>], vector<16xf32>,
      }
      %scan3A_62 = arith.constant 128 : i32
      %mul3A_63 = arith.constant 4 : i32
      %mul3A_64 = arith.muli %add3A, %mul3A_63 : i32
      "tpu.region"() ({
        %run_scoped3A = tpu.sem_alloc : memref<!tpu.dma_semaphore, #tpu.memory_space<semaphore_mem>>
        %dma_start3A_65 = arith.constant 0 : i32
        %dma_start3A_66 = arith.constant 0 : i32
        %dma_start3A_67 = arith.constant 0 : i32
        %dma_start3A_68 = arith.constant 0 : i32
        %dma_start3A_69 = tpu.memref_slice %arg8[%dma_start3A_65, %dma_start3A_66, %dma_start3A_67, %dma_start3A_68] : memref<4x4x8x130xf32, #tpu.memory_space<vmem>> -> memref<4x4x8x128xf32, #tpu.memory_space<vmem>>
        %dma_start3A_70 = arith.constant 0 : i32
        %dma_start3A_71 = arith.constant 0 : i32
        %dma_start3A_72 = arith.constant 0 : i32
        %dma_start3A_73 = tpu.memref_slice %arg4[%add3A_43, %dma_start3A_70, %mul3A_64, %dma_start3A_71, %dma_start3A_72] : memref<50x4x128x8x128xf32, #tpu.memory_space<hbm>> -> memref<1x4x4x8x128xf32, #tpu.memory_space<hbm>>
        %dma_start3A_74 = tpu.memref_squeeze %dma_start3A_73 : memref<1x4x4x8x128xf32, #tpu.memory_space<hbm>> -> memref<4x4x8x128xf32, #tpu.memory_space<hbm>>
        %dma_start3A_75 = arith.constant 0 : i32
        %dma_start3A_76 = arith.constant 0 : i32
        %dma_start3A_77 = arith.constant 0 : i32
        %dma_start3A_78 = tpu.memref_slice %arg4[%add3A_43, %dma_start3A_75, %mul3A_64, %dma_start3A_76, %dma_start3A_77] : memref<50x4x128x8x128xf32, #tpu.memory_space<hbm>> -> memref<1x4x4x8x128xf32, #tpu.memory_space<hbm>>
        %dma_start3A_79 = tpu.memref_squeeze %dma_start3A_78 : memref<1x4x4x8x128xf32, #tpu.memory_space<hbm>> -> memref<4x4x8x128xf32, #tpu.memory_space<hbm>>
        %dma_start3A_80 = arith.constant 0 : i32
        %dma_start3A_81 = arith.constant 0 : i32
        %dma_start3A_82 = arith.constant 0 : i32
        %dma_start3A_83 = arith.constant 0 : i32
        %dma_start3A_84 = tpu.memref_slice %arg8[%dma_start3A_80, %dma_start3A_81, %dma_start3A_82, %dma_start3A_83] : memref<4x4x8x130xf32, #tpu.memory_space<vmem>> -> memref<4x4x8x128xf32, #tpu.memory_space<vmem>>
        tpu.enqueue_dma source(%dma_start3A_84 : memref<4x4x8x128xf32, #tpu.memory_space<vmem>>) target(%dma_start3A_79 : memref<4x4x8x128xf32, #tpu.memory_space<hbm>>) target_semaphore(%run_scoped3A : memref<!tpu.dma_semaphore, #tpu.memory_space<semaphore_mem>>)
        %dma_wait3A_85 = arith.constant 0 : i32
        %dma_wait3A_86 = arith.constant 0 : i32
        %dma_wait3A_87 = arith.constant 0 : i32
        %dma_wait3A_88 = arith.constant 0 : i32
        %dma_wait3A_89 = tpu.memref_slice %arg8[%dma_wait3A_85, %dma_wait3A_86, %dma_wait3A_87, %dma_wait3A_88] : memref<4x4x8x130xf32, #tpu.memory_space<vmem>> -> memref<4x4x8x128xf32, #tpu.memory_space<vmem>>
        %dma_wait3A_90 = arith.constant 0 : i32
        %dma_wait3A_91 = arith.constant 0 : i32
        %dma_wait3A_92 = arith.constant 0 : i32
        %dma_wait3A_93 = tpu.memref_slice %arg4[%add3A_43, %dma_wait3A_90, %mul3A_64, %dma_wait3A_91, %dma_wait3A_92] : memref<50x4x128x8x128xf32, #tpu.memory_space<hbm>> -> memref<1x4x4x8x128xf32, #tpu.memory_space<hbm>>
        %dma_wait3A_94 = tpu.memref_squeeze %dma_wait3A_93 : memref<1x4x4x8x128xf32, #tpu.memory_space<hbm>> -> memref<4x4x8x128xf32, #tpu.memory_space<hbm>>
        %dma_wait3A_95 = arith.constant 0 : i32
        %dma_wait3A_96 = arith.constant 0 : i32
        %dma_wait3A_97 = arith.constant 0 : i32
        %dma_wait3A_98 = tpu.memref_slice %arg4[%add3A_43, %dma_wait3A_95, %mul3A_64, %dma_wait3A_96, %dma_wait3A_97] : memref<50x4x128x8x128xf32, #tpu.memory_space<hbm>> -> memref<1x4x4x8x128xf32, #tpu.memory_space<hbm>>
        %dma_wait3A_99 = tpu.memref_squeeze %dma_wait3A_98 : memref<1x4x4x8x128xf32, #tpu.memory_space<hbm>> -> memref<4x4x8x128xf32, #tpu.memory_space<hbm>>
        %dma_wait3A_100 = arith.constant 0 : i32
        %dma_wait3A_101 = arith.constant 0 : i32
        %dma_wait3A_102 = arith.constant 0 : i32
        %dma_wait3A_103 = arith.constant 0 : i32
        %dma_wait3A_104 = tpu.memref_slice %arg8[%dma_wait3A_100, %dma_wait3A_101, %dma_wait3A_102, %dma_wait3A_103] : memref<4x4x8x130xf32, #tpu.memory_space<vmem>> -> memref<4x4x8x128xf32, #tpu.memory_space<vmem>>
        tpu.wait_dma2 semaphore(%run_scoped3A : memref<!tpu.dma_semaphore, #tpu.memory_space<semaphore_mem>>) src(%dma_wait3A_104 : memref<4x4x8x128xf32, #tpu.memory_space<vmem>>) dst(%dma_wait3A_99 : memref<4x4x8x128xf32, #tpu.memory_space<hbm>>)
        tpu.yield
      }) : () -> ()
    }
    %scan3A_17 = arith.constant 25 : i32
    return
  }
}

</mosaic_0001>

<sc_bundles>
// kernel: kernel.3.cloned.1.call-start
scs
__scs_entry_jumppad:
0x0: {  	(pc) =	sbr.rel $0x88, $3  }
0x1: {  	(tag) =	ssettag $0x0;
	lr =	simm.s32 $0x1  }
0x2: {  	[smem:$0x3F9F] =	sst lr;
	_ =	strace $0xD0000000  }
0x3: {  	_ = 	snop  }
0x4: {  	_ = 	snop  }
0x5: {  	_ = 	snop  }
0x6: {  	_ = 	snop  }
0x7: {  	_ = 	snop  }
__scs_overlays_trampoline_lowered:
0x8: {  	[smem:$0x3FAE] =	sst s0  }
0x9: {  	[smem:$0x3FAF] =	sst s1  }
0xa: {  	[smem:$0x3FB0] =	sst s2  }
0xb: {  	[smem:$0x3FB1] =	sst s3  }
0xc: {  	[smem:$0x3FB2] =	sst s4  }
0xd: {  	[smem:$0x3FB3] =	sst s5  }
0xe: {  	[smem:$0x3FB4] =	sst s6  }
0xf: {  	[smem:$0x3FB5] =	sst s7  }
0x10: {  	[smem:$0x3FB6] =	sst s8  }
0x11: {  	[smem:$0x3FB7] =	sst s9;
	s0 =	simm.s32 @!p0 $0x0  }
0x12: {  	s1 =	sld [smem:$0x3F9D];
	s0 =	simm.s32 @p0 $0x1  }
0x13: {  	[smem:$0x3FB8] =	sst s0;
	s0 =	simm.s32 @!p1 $0x0  }
0x14: {  	s2 =	sld [smem:$0x3F9C];
	s0 =	simm.s32 @p1 $0x1  }
0x15: {  	[smem:$0x3FB9] =	sst s0;
	s0 =	simm.s32 @!p2 $0x0  }
0x16: {  	s3 =	sld [smem:$0x3FDB];
	s0 =	simm.s32 @p2 $0x1  }
0x17: {  	s4 =	simm.s32 $0x1BF5;
	[smem:$0x3FBB] =	sst s0  }
0x18: {  	s0 =	sld [smem:$0x3F9E];
	_ =	swait.ge [sflag:s4], $0x0  }
0x19: {  	s7 =	sld [smem:$0x3F9F]  }
0x1a: {  	s8 =	sadd.s32 $0xFFFFE003, lr  }
0x1b: {  	s9 =	sadd.s32 $0xFFFFFEF7, lr;
	s5 =	simm.s32 $0xFFFFFFFF;
	p2 =	slt.u32 s8, $0xFFFFF086  }
0x1c: {  	p1 =	slt.u32 s9, $0xF7A;
	s5 =	simm.s32 @!p2 $0x0  }
0x1d: {  	s5 =	simm.s32 @p1 $0x1;
	p0 =	seq.s32 s7, s2  }
0x1e: {  	s7 =	smul.u32 @!p0 $0xF7A, s2;
	p2 =	seq.s32 @!p0 s5, $0x0  }
0x1f: {  	s9 =	smul.u32 $0xF7A, s1;
	s8 =	simm.s32 @!p0 $0x1BF5;
	p2 =	por !p2, p0  }
0x20: {  	[sflag:s8] =	ssyncset.s32 @!p0 $0xFFFFF086;
	s6 =	sadd.s32 @!p0 s3, s7;
	s7 =	simm.s32 @!p0 $0x108  }
0x21: {  	s3 =	sadd.s32 s3, s9;
	s6 =	sadd.s32 @!p0 $0x88, s6;
	s7 =	simm.s32 @p2 $0x1082  }
0x22: {  	[simem:s7], [sflag:s8] =	dma.local @!p0 [hbm:s6], $0xF7A  }
0x23: {  	s9 =	sor.u32 $0xD0000000, s2;
	s6 =	simm.s32 $0x108;
	_ =	swait.ge @!p0 [sflag:s8], $0x0  }
0x24: {  	s3 =	sadd.s32 $0x88, s3;
	s6 =	simm.s32 @!p1 $0x1082;
	[sflag:s4] =	ssyncset.s32 $0xFFFFF086  }
0x25: {  	[simem:s6], [sflag:s4] =	dma.local [hbm:s3], $0xF7A  }
0x26: {  	[smem:$0x3F9F] =	sst s1;
	(tag) =	ssettag s2;
	_ =	strace s9  }
0x27: {  	s1 =	sld [smem:$0x3FAF]  }
0x28: {  	s2 =	sld [smem:$0x3FB0]  }
0x29: {  	s4 =	sld [smem:$0x3FB2]  }
0x2a: {  	p0 =	seq.s32 s5, $0x0;
	s5 =	sld [smem:$0x3FB3]  }
0x2b: {  	s6 =	sld [smem:$0x3FB4]  }
0x2c: {  	s7 =	sld [smem:$0x3FB5]  }
0x2d: {  	s3 =	simm.s32 $0x108;
	s8 =	sld [smem:$0x3FB6]  }
0x2e: {  	s3 =	simm.s32 @!p0 $0x1082;
	s9 =	sld [smem:$0x3FB7]  }
0x2f: {  	lr =	sadd.s32 s0, s3;
	s0 =	sld [smem:$0x3FAE]  }
0x30: {  	s3 =	sld [smem:$0x3FB1]  }
0x31: {  	[smem:$0x3FBA] =	sst s10  }
0x32: {  	s10 =	sld [smem:$0x3FB8];
	_ =	sdelay $0x3  }
0x33: {  	p0 =	seq.s32 s10, $0x1;
	s10 =	sld [smem:$0x3FBA];
	_ =	sdelay $0x3  }
0x34: {  	[smem:$0x3FBA] =	sst s10  }
0x35: {  	s10 =	sld [smem:$0x3FB9];
	_ =	sdelay $0x3  }
0x36: {  	p1 =	seq.s32 s10, $0x1;
	s10 =	sld [smem:$0x3FBA];
	_ =	sdelay $0x3  }
0x37: {  	[smem:$0x3FBA] =	sst s10  }
0x38: {  	s10 =	sld [smem:$0x3FBB]  }
0x39: {  	_ = 	snop;
	(pc) =	sbr.ind lr, $3  }
0x3a: {  	_ = 	snop  }
0x3b: {  	_ = 	snop  }
0x3c: {  	p2 =	seq.s32 s10, $0x1;
	s10 =	sld [smem:$0x3FBA]  }
0x3d: {  	_ =	shalt  }
0x3e: {  	_ =	shalt  }
0x3f: {  	_ =	shalt  }
0x40: {  	_ =	shalt  }
0x41: {  	_ =	shalt  }
0x42: {  	_ =	shalt  }
0x43: {  	_ =	shalt  }
0x44: {  	_ =	shalt  }
0x45: {  	_ =	shalt  }
0x46: {  	_ =	shalt  }
0x47: {  	_ =	shalt  }
0x48: {  	_ =	shalt  }
0x49: {  	_ =	shalt  }
0x4a: {  	_ =	shalt  }
0x4b: {  	_ =	shalt  }
0x4c: {  	_ =	shalt  }
0x4d: {  	_ =	shalt  }
0x4e: {  	_ =	shalt  }
0x4f: {  	_ =	shalt  }
0x50: {  	_ =	shalt  }
0x51: {  	_ =	shalt  }
0x52: {  	_ =	shalt  }
0x53: {  	_ =	shalt  }
0x54: {  	_ =	shalt  }
0x55: {  	_ =	shalt  }
0x56: {  	_ =	shalt  }
0x57: {  	_ =	shalt  }
0x58: {  	_ =	shalt  }
0x59: {  	_ =	shalt  }
0x5a: {  	_ =	shalt  }
0x5b: {  	_ =	shalt  }
0x5c: {  	_ =	shalt  }
0x5d: {  	_ =	shalt  }
0x5e: {  	_ =	shalt  }
0x5f: {  	_ =	shalt  }
0x60: {  	_ =	shalt  }
0x61: {  	_ =	shalt  }
0x62: {  	_ =	shalt  }
0x63: {  	_ =	shalt  }
0x64: {  	_ =	shalt  }
0x65: {  	_ =	shalt  }
0x66: {  	_ =	shalt  }
0x67: {  	_ =	shalt  }
0x68: {  	_ =	shalt  }
0x69: {  	_ =	shalt  }
0x6a: {  	_ =	shalt  }
0x6b: {  	_ =	shalt  }
0x6c: {  	_ =	shalt  }
0x6d: {  	_ =	shalt  }
0x6e: {  	_ =	shalt  }
0x6f: {  	_ =	shalt  }
0x70: {  	_ =	shalt  }
0x71: {  	_ =	shalt  }
0x72: {  	_ =	shalt  }
0x73: {  	_ =	shalt  }
0x74: {  	_ =	shalt  }
0x75: {  	_ =	shalt  }
0x76: {  	_ =	shalt  }
0x77: {  	_ =	shalt  }
0x78: {  	_ =	shalt  }
0x79: {  	_ =	shalt  }
0x7a: {  	_ =	shalt  }
0x7b: {  	_ =	shalt  }
0x7c: {  	_ =	shalt  }
0x7d: {  	_ =	shalt  }
0x7e: {  	_ =	shalt  }
0x7f: {  	_ =	shalt  }
0x80: {  	_ =	shalt  }
0x81: {  	_ =	shalt  }
0x82: {  	_ =	shalt  }
0x83: {  	_ =	shalt  }
0x84: {  	_ =	shalt  }
0x85: {  	_ =	shalt  }
0x86: {  	_ =	shalt  }
0x87: {  	_ =	shalt  }
.Lfunc_end0:
.L_simem_size_0:
called_computation_lowered:
.L_overlay_start_0:
0x88: {  	s2 =	sld [smem:$0x3FD9]  }
0x89: {  	s3 =	sld [smem:$0x3FFE];
	_ =	sdelay $0x1  }
0x8a: {  	s1 =	srdreg.scid  }
0x8b: {  	s0 =	sand.u32 $0x1, s1  }
0x8c: {  	s17 =	sshll.u32 s0, $0xA;
	s2 =	sadd.s32 s3, s2  }
0x8d: {  	s2 =	sadd.s32 s2, s17  }
0x8e: {  	[smem:$0x3FC6] =	sst s2  }
0x8f: {  	_ = 	snop  }
0x90: {  	s2 =	sld [smem:$0x3FD0];
	(tm) =	ssettm $0x1  }
0x91: {  	s18 =	sld [smem:$0x3FFB];
	_ =	sdelay $0x3  }
0x92: {  	_ =	strace s18  }
0x93: {  	s3 =	sld [smem:$0x3FFC];
	_ =	sdelay $0x3  }
0x94: {  	_ =	strace s3  }
0x95: {  	s3 =	sld [smem:$0x3FFD];
	_ =	sdelay $0x3  }
0x96: {  	_ =	strace s3  }
0x97: {  	_ =	strace $0x8FFFFFFF  }
0x98: {  	s19 =	sld [smem:$0x3FDB];
	_ =	sdelay $0x1  }
0x99: {  	s4 =	simm.s32 $_scs_section_size  }
0x9a: {  	s5 =	simm.s32 $_size__tile_overlayer_lowered;
	s6 =	simm.s32 $_tile_overlayer_lowered  }
0x9b: {  	s22 =	simm.s32 $0x1BFF;
	s21 =	sshll.u32 s6, $0x1;
	s3 =	sadd.s32 s4, s19  }
0x9c: {  	s7 =	simm.s32 $0x0;
	s20 =	sshll.u32 s5, $0x1;
	s5 =	sadd.s32 s21, s3  }
0x9d: {  	[timem:s7], [sflag:s22] =	dma.local [hbm:s5], s20  }
0x9e: {  	_ =	swait.ge [sflag:s22], s20  }
0x9f: {  	s4 =	ssub.s32 $0x0, s20;
	[sflag:s22] =	ssyncset.done $0x0  }
0xa0: {  	[sflag:s22] =	ssyncadd.s32 s4;
	_ =	sdelay $0x1  }
0xa1: {  	s23 =	simm.s32 $0x1B8B  }
0xa2: {  	_ =	swait.ge [sflag:s23], $0x1  }
0xa3: {  	[sflag:s23] =	ssyncset.done $0x0  }
0xa4: {  	s25 =	simm.s32 $0x1B8E;
	s24 =	sld [smem:$0x3FFE];
	[sflag:s23] =	ssyncadd.s32 $0xFFFFFFFF  }
0xa5: {  	s26 =	simm.s32 $execute0_lowered;
	[smem:$0x3FD2] =	sst s25  }
0xa6: {  	s5 =	sshll.u32 s26, $0x1;
	_ =	strace $0x80000046;
	[dreg:$0x1] =	wrdreg $0xFFFFFFFF  }
0xa7: {  	s28 =	simm.s32 $_size_execute0_lowered;
	s3 =	sadd.s32 s3, s5;
	[dreg:$0x0] =	wrdreg $0x0  }
0xa8: {  	s5 =	sshll.u32 s28, $0x1;
	[dreg:$0x2] =	wrdreg s3  }
0xa9: {  	[dreg:$0x3] =	wrdreg s5  }
0xaa: {  	[dreg:$0x4] =	wrdreg $0xC0  }
0xab: {  	_ =	task [dreg:s7], $0x5FFFF  }
0xac: {  	[dreg:$0x1] =	wrdreg $0xFFFFFFFF  }
0xad: {  	[dreg:$0x0] =	wrdreg $0x60  }
0xae: {  	[dreg:$0x2] =	wrdreg s24  }
0xaf: {  	[dreg:$0x3] =	wrdreg s2  }
0xb0: {  	[dreg:$0x4] =	wrdreg $0x9  }
0xb1: {  	_ =	task.clear_ibuf [dreg:s7], $0x5FFFF;
	_ =	strace $0x90000046  }
0xb2: {  	s29 =	simm.s32 $0x9;
	_ =	strace $0x80000048  }
0xb3: {  	_ =	swait.ge [sflag:s29], $0x1  }
0xb4: {  	[sflag:s29] =	ssyncadd.s32 $0xFFFFFFFF  }
0xb5: {  	_ =	strace $0x90000048  }
0xb6: {  	_ =	sfence  }
0xb7: {  	s30 =	sld [smem:$0x0];
	_ =	sdelay $0x2  }
0xb8: {  	s31 =	sshll.u32 s1, $0xD;
	s1 =	sshrl.u32 s1, $0x2  }
0xb9: {  	s3 =	sand.u32 $0x4000, s31;
	s1 =	sadd.s32 s1, s30  }
0xba: {  	s0 =	sor.u32 s3, s0;
	s1 =	sshll.u32 s1, $0x11  }
0xbb: {  	s0 =	sor.u32 s1, s0  }
0xbc: {  	s0 =	sadd.s32 $0x8F2B, s0  }
0xbd: {  	[sflag:s0] =	ssyncadd.remote.s32 $0x1  }
0xbe: {  	_ =	sfence.sel $0xFFFF  }
0xbf: {  	[dreg:$0x0] =	wrdreg $0xFFFFFFFF;
	(pc) =	sbr.abs _section_cstart, $3  }
0xc0: {  	[dreg:$0x1] =	wrdreg $0xFFFFFFFF  }
0xc1: {  	_ =	task.clear_ibuf [dreg:s7], $0x2FFFF;
	_ =	strace $0x9FFFFFFF  }
0xc2: {  	(tm) =	ssettm $0x7FFFFFFF  }
0xc3: {  	_ =	shalt  }
tec
execute0_lowered:
.L_overlay_start_1:
0x0: {  	(tag) =	ssettag $0x1  }
0x1: {  	v0 =	vimm.s32 $0x14B8;
	vm0 =	vcmask $0x300;
	v1 =	vimm.s32 $0x36B8  }
0x2: {  	vm1 =	vcmask $0x704;
	v0 =	vsel vm0, $0x0, v0;
	v1 =	vsel vm0, $0x2200, v1  }
0x3: {  	vm15 =	vcmask $0xB08;
	v0 =	vsel vm1, $0x88, v0;
	v1 =	vsel vm1, $0x2288, v1  }
0x4: {  	vm4 =	vcmask $0xF0C;
	v0 =	vsel vm15, $0x110, v0;
	v1 =	vsel vm15, $0x2310, v1  }
0x5: {  	s4 =	rddreg [dreg:$0x0];
	vm5 =	vcmask $0x1310;
	v0 =	vsel vm4, $0x198, v0;
	v1 =	vsel vm4, $0x2398, v1  }
0x6: {  	s1 =	rddreg [dreg:$0x1];
	vm6 =	vcmask $0x1714;
	v0 =	vsel vm5, $0x220, v0;
	v1 =	vsel vm5, $0x2420, v1  }
0x7: {  	s0 =	rddreg [dreg:$0x2];
	vm7 =	vcmask $0x1B18;
	v0 =	vsel vm6, $0x2A8, v0;
	v1 =	vsel vm6, $0x24A8, v1  }
0x8: {  	s5 =	srdreg.scid;
	s2 =	stileid.u32;
	vm8 =	vcmask $0x1F1C;
	v0 =	vsel vm7, $0x330, v0;
	v1 =	vsel vm7, $0x2530, v1  }
0x9: {  	s3 =	simm.s32 $0x0;
	vm9 =	vcmask $0x2320;
	s9 =	simm.s32 $0x4000;
	s10 =	simm.s32 $0x3;
	v0 =	vsel vm8, $0x3B8, v0;
	v1 =	vsel vm8, $0x25B8, v1  }
0xa: {  	vm10 =	vcmask $0x2724;
	s11 =	simm.s32 $0x6400;
	s12 =	simm.s32 $0xA400;
	s13 =	simm.s32 $0x1;
	v0 =	vsel vm9, $0x1100, v0;
	v1 =	vsel vm9, $0x3300, v1  }
0xb: {  	vm11 =	vcmask $0x2B28;
	s14 =	simm.s32 $0xE400;
	s15 =	simm.s32 $0x2;
	s16 =	simm.s32 $0x0;
	v0 =	vsel vm10, $0x1188, v0;
	v1 =	vsel vm10, $0x3388, v1  }
0xc: {  	vm12 =	vcmask $0x2F2C;
	s5 =	sand.u32 $0x1, s5;
	s6 =	sshll.u32 s2, $0x1;
	[smem:$0x7FF] =	sst s3;
	v0 =	vsel vm11, $0x1210, v0;
	v1 =	vsel vm11, $0x3410, v1  }
0xd: {  	vm13 =	vcmask $0x3330;
	s6 =	sor.u32 s5, s6;
	s5 =	ssub.s32 $0x2, s5;
	_ =	strace $0x80000047;
	v0 =	vsel vm12, $0x1298, v0;
	v1 =	vsel vm12, $0x3498, v1  }
0xe: {  	vm14 =	vcmask $0x3734;
	s7 =	sshll.u32 s6, $0x6;
	s8 =	sshrl.u32 s5, $0x1;
	s6 =	sshll.u32 s6, $0xC;
	v0 =	vsel vm13, $0x1320, v0;
	v1 =	vsel vm13, $0x3520, v1  }
0xf: {  	vm15 =	vcmask $0x3B38;
	s7 =	sadd.s32 s7, s4;
	s4 =	sadd.s32 $0xF42A00, s4;
	s8 =	ssub.s32 s5, s8;
	v0 =	vsel vm14, $0x13A8, v0;
	v1 =	vsel vm14, $0x35A8, v1  }
0x10: {  	s5 =	sadd.s32 $0x600, s7;
	s7 =	smax.u32 s8, $0x1;
	s8 =	simm.s32 $0x200;
	v0 =	vsel vm15, $0x1430, v0;
	v1 =	vsel vm15, $0x3630, v1  }
.LBB2_1:
0x11: {  	[tilespmem:s3], [sflag:$0x3] =	stream.strided.gather [hbm4b:s5+s8], $0x6400, s9, s8, $0x38;
	[tilespmem:$0x12800] =	vst v63  }
0x12: {  	_ =	swait.ge [sflag:s10], $0x6400  }
0x13: {  	[sflag:s10] =	ssyncset.done $0x0  }
0x14: {  	s17 =	simm.s32 $0x0;
	[sflag:s10] =	ssyncadd.s32 $0xFFFF9C00  }
0x15: {  	[tilespmem:s11], [sflag:$0x1] =	stream.indirect.gather [hbm4b:s4+s8], $0x20, s3, s8, $0xb8;
	[tilespmem:$0x12800] =	vst v63  }
.LBB2_2:
0x16: {  	s18 =	sshllo.u32 s17, $0x1  }
0x17: {  	s20 =	simm.s32 $0x0;
	s19 =	sshll.u32 s18, $0x9  }
0x18: {  	v2 =	vmov s20;
	s19 =	sand.u32 $0x3FFFFE00, s19  }
0x19: {  	v2 =	vmul.u32 $0x440, v2;
	[tilespmem:s12], [sflag:$0x2] =	stream.indirect.gather [hbm4b:s4+s8], $0x20, s19, s8, $0xb8;
	[tilespmem:$0x12800] =	vst v63  }
0x1a: {  	_ =	swait.ge [sflag:s13], $0x4000  }
0x1b: {  	s26 =	simm.s32 $0x0;
	v2 =	vbroadcast v2, $0x0;
	[sflag:s13] =	ssyncset.done $0x0  }
0x1c: {  	v3 =	vmov s26;
	s19 =	simm.s32 $0x6440;
	[sflag:s13] =	ssyncadd.s32 $0xFFFFC000  }
0x1d: {  	v6 =	vand.u32 $0x78, v3;
	v4 =	vadd.s32 v0, v2;
	v5 =	vld [tilespmem:s19+$0xFFFFFFC0]  }
0x1e: {  	v3 =	vand.u32 $0x4, v3;
	v7 =	vadd.s32 v6, v4  }
0x1f: {  	v7 =	vor.u32 v3, v7;
	_ =	sdelay $0x2  }
0x20: {  	v5 =	vmul.f32 $5.656854150e+00, v5;
	_ =	sdelay $0x1  }
0x21: {  	[tilespmem:v7+s14+$0x0] =	vst.idx.msk $0xffff, v5  }
0x22: {  	v2 =	vadd.s32 v1, v2;
	v5 =	vld [tilespmem:s19+$0xFFFFFFD0]  }
0x23: {  	v6 =	vadd.s32 v6, v2  }
0x24: {  	v3 =	vor.u32 v3, v6;
	_ =	sdelay $0x2  }
0x25: {  	v5 =	vmul.f32 $5.656854150e+00, v5  }
0x26: {  	s28 =	simm.s32 $0x1  }
0x27: {  	v6 =	vmov s28;
	[tilespmem:v3+s14+$0x0] =	vst.idx.msk $0xffff, v5  }
0x28: {  	v3 =	vand.u32 $0x78, v6;
	v5 =	vld [tilespmem:s19+$0xFFFFFFE0]  }
0x29: {  	v6 =	vand.u32 $0x5, v6;
	v7 =	vadd.s32 v4, v3  }
0x2a: {  	v7 =	vor.u32 v6, v7;
	_ =	sdelay $0x2  }
0x2b: {  	v5 =	vmul.f32 $5.656854150e+00, v5;
	_ =	sdelay $0x1  }
0x2c: {  	[tilespmem:v7+s14+$0x0] =	vst.idx.msk $0xffff, v5  }
0x2d: {  	v5 =	vld [tilespmem:s19+$0xFFFFFFF0]  }
0x2e: {  	v3 =	vadd.s32 v2, v3  }
0x2f: {  	v3 =	vor.u32 v6, v3;
	_ =	sdelay $0x2  }
0x30: {  	v5 =	vmul.f32 $5.656854150e+00, v5  }
0x31: {  	s29 =	simm.s32 $0x2  }
0x32: {  	v6 =	vmov s29;
	[tilespmem:v3+s14+$0x0] =	vst.idx.msk $0xffff, v5  }
0x33: {  	v3 =	vand.u32 $0x78, v6;
	v5 =	vld [tilespmem:s19+$0x0]  }
0x34: {  	v6 =	vand.u32 $0x6, v6;
	v7 =	vadd.s32 v4, v3  }
0x35: {  	v7 =	vor.u32 v6, v7;
	_ =	sdelay $0x2  }
0x36: {  	v5 =	vmul.f32 $5.656854150e+00, v5;
	_ =	sdelay $0x1  }
0x37: {  	[tilespmem:v7+s14+$0x0] =	vst.idx.msk $0xffff, v5  }
0x38: {  	v5 =	vld [tilespmem:s19+$0x10]  }
0x39: {  	v3 =	vadd.s32 v2, v3  }
0x3a: {  	v3 =	vor.u32 v6, v3;
	_ =	sdelay $0x2  }
0x3b: {  	v5 =	vmul.f32 $5.656854150e+00, v5  }
0x3c: {  	s30 =	simm.s32 $0x3  }
0x3d: {  	v6 =	vmov s30;
	[tilespmem:v3+s14+$0x0] =	vst.idx.msk $0xffff, v5  }
0x3e: {  	v3 =	vand.u32 $0x78, v6;
	v5 =	vld [tilespmem:s19+$0x20]  }
0x3f: {  	v6 =	vand.u32 $0x7, v6;
	v4 =	vadd.s32 v4, v3  }
0x40: {  	v4 =	vor.u32 v6, v4;
	_ =	sdelay $0x2  }
0x41: {  	v5 =	vmul.f32 $5.656854150e+00, v5;
	_ =	sdelay $0x1  }
0x42: {  	[tilespmem:v4+s14+$0x0] =	vst.idx.msk $0xffff, v5  }
0x43: {  	v4 =	vld [tilespmem:s19+$0x30]  }
0x44: {  	s31 =	simm.s32 $0x0  }
0x45: {  	v2 =	vadd.s32 v2, v3;
	v5 =	vmov s31  }
0x46: {  	v2 =	vor.u32 v6, v2;
	v5 =	vmul.u32 $0x440, v5;
	_ =	sdelay $0x1  }
0x47: {  	s23 =	simm.s32 $0x2;
	s22 =	simm.s32 $0x5;
	s20 =	simm.s32 $0x4;
	v3 =	vbroadcast v5, $0x0;
	v4 =	vmul.f32 $5.656854150e+00, v4  }
.LBB2_3:
0x48: {  	s24 =	sadd.s32 $0x2, s20  }
0x49: {  	v5 =	vmov s20;
	v6 =	vmov s22;
	s19 =	sadd.s32 $0x80, s19;
	s22 =	smov.u32 s23;
	s21 =	sadd.s32 $0x1, s23  }
0x4a: {  	p0 =	sne.s32 s23, $0x7F;
	s23 =	sadd.s32 $0x3, s20;
	v7 =	vadd.s32 v0, v3;
	v3 =	vadd.s32 v1, v3;
	v8 =	vmov s24;
	[tilespmem:v2+s14+$0x0] =	vst.idx.msk $0xffff, v4  }
0x4b: {  	v4 =	vand.u32 $0x78, v5;
	v5 =	vand.u32 $0x4, v5;
	v9 =	vmov s23;
	v2 =	vld [tilespmem:s19+$0xFFFFFFC0]  }
0x4c: {  	v10 =	vadd.s32 v4, v7;
	v11 =	vand.u32 $0x78, v8;
	v12 =	vand.u32 $0x78, v9  }
0x4d: {  	v10 =	vor.u32 v5, v10;
	v13 =	vadd.s32 v7, v12;
	v12 =	vadd.s32 v3, v12  }
0x4e: {  	v14 =	vand.u32 $0x78, v6;
	v4 =	vadd.s32 v4, v3;
	v15 =	vadd.s32 v7, v11  }
0x4f: {  	v4 =	vor.u32 v5, v4;
	v5 =	vadd.s32 v7, v14;
	v7 =	vadd.s32 v3, v14  }
0x50: {  	v3 =	vadd.s32 v3, v11;
	v2 =	vmul.f32 $5.656854150e+00, v2;
	_ =	sdelay $0x1  }
0x51: {  	[tilespmem:v10+s14+$0x0] =	vst.idx.msk $0xffff, v2  }
0x52: {  	v2 =	vld [tilespmem:s19+$0xFFFFFFD0];
	_ =	sdelay $0x4  }
0x53: {  	v2 =	vmul.f32 $5.656854150e+00, v2;
	_ =	sdelay $0x1  }
0x54: {  	[tilespmem:v4+s14+$0x0] =	vst.idx.msk $0xffff, v2  }
0x55: {  	v4 =	vand.u32 $0x5, v6;
	v2 =	vld [tilespmem:s19+$0xFFFFFFE0];
	_ =	sdelay $0x1  }
0x56: {  	v5 =	vor.u32 v4, v5;
	_ =	sdelay $0x2  }
0x57: {  	v2 =	vmul.f32 $5.656854150e+00, v2;
	_ =	sdelay $0x1  }
0x58: {  	[tilespmem:v5+s14+$0x0] =	vst.idx.msk $0xffff, v2  }
0x59: {  	v2 =	vld [tilespmem:s19+$0xFFFFFFF0];
	_ =	sdelay $0x1  }
0x5a: {  	v4 =	vor.u32 v4, v7;
	_ =	sdelay $0x2  }
0x5b: {  	v2 =	vmul.f32 $5.656854150e+00, v2;
	_ =	sdelay $0x1  }
0x5c: {  	[tilespmem:v4+s14+$0x0] =	vst.idx.msk $0xffff, v2  }
0x5d: {  	v4 =	vand.u32 $0x6, v8;
	v2 =	vld [tilespmem:s19+$0x0];
	_ =	sdelay $0x1  }
0x5e: {  	v5 =	vor.u32 v4, v15;
	_ =	sdelay $0x2  }
0x5f: {  	v2 =	vmul.f32 $5.656854150e+00, v2;
	_ =	sdelay $0x1  }
0x60: {  	[tilespmem:v5+s14+$0x0] =	vst.idx.msk $0xffff, v2  }
0x61: {  	v2 =	vld [tilespmem:s19+$0x10];
	_ =	sdelay $0x1  }
0x62: {  	v3 =	vor.u32 v4, v3;
	_ =	sdelay $0x2  }
0x63: {  	v2 =	vmul.f32 $5.656854150e+00, v2;
	_ =	sdelay $0x1  }
0x64: {  	[tilespmem:v3+s14+$0x0] =	vst.idx.msk $0xffff, v2  }
0x65: {  	v3 =	vand.u32 $0x7, v9;
	v2 =	vld [tilespmem:s19+$0x20]  }
0x66: {  	v4 =	vor.u32 v3, v13;
	_ =	sdelay $0x3  }
0x67: {  	v2 =	vmul.f32 $5.656854150e+00, v2;
	_ =	sdelay $0x1  }
0x68: {  	[tilespmem:v4+s14+$0x0] =	vst.idx.msk $0xffff, v2  }
0x69: {  	v4 =	vld [tilespmem:s19+$0x30]  }
.Ltmp0:
0x6a: {  	s22 =	sshrl.u32 s22, $0x5;
	v2 =	vor.u32 v3, v12;
	(pc) =	sbr.rel @p0 .LBB2_3-.Ltmp0, $4  }
0x6b: {  	v3 =	vmov s22  }
0x6c: {  	v3 =	vmul.u32 $0x440, v3  }
0x6d: {  	s20 =	sadd.s32 $0x4, s20  }
0x6e: {  	s23 =	smov.u32 s21;
	s22 =	sadd.s32 $0x1, s20;
	v3 =	vbroadcast v3, $0x0;
	v4 =	vmul.f32 $5.656854150e+00, v4  }
0x6f: {  	_ =	sdelay $0x3  }
0x70: {  	v5 =	vmov s20;
	s19 =	sadd.s32 $0x80, s19;
	[tilespmem:v2+s14+$0x0] =	vst.idx.msk $0xffff, v4  }
0x71: {  	v2 =	vadd.s32 v0, v3;
	v6 =	vand.u32 $0x78, v5;
	v4 =	vld [tilespmem:s19+$0xFFFFFFC0]  }
0x72: {  	v5 =	vand.u32 $0x4, v5;
	v7 =	vadd.s32 v6, v2  }
0x73: {  	v7 =	vor.u32 v5, v7;
	_ =	sdelay $0x2  }
0x74: {  	v4 =	vmul.f32 $5.656854150e+00, v4;
	_ =	sdelay $0x1  }
0x75: {  	[tilespmem:v7+s14+$0x0] =	vst.idx.msk $0xffff, v4  }
0x76: {  	v3 =	vadd.s32 v1, v3;
	v4 =	vld [tilespmem:s19+$0xFFFFFFD0]  }
0x77: {  	v6 =	vadd.s32 v6, v3  }
0x78: {  	v5 =	vor.u32 v5, v6;
	_ =	sdelay $0x2  }
0x79: {  	v4 =	vmul.f32 $5.656854150e+00, v4;
	_ =	sdelay $0x1  }
0x7a: {  	v56 =	vmov s22;
	[tilespmem:v5+s14+$0x0] =	vst.idx.msk $0xffff, v4  }
0x7b: {  	v57 =	vand.u32 $0x78, v56;
	v5 =	vld [tilespmem:s19+$0xFFFFFFE0]  }
0x7c: {  	v58 =	vadd.s32 v2, v57;
	v6 =	vand.u32 $0x5, v56  }
0x7d: {  	v7 =	vor.u32 v6, v58;
	_ =	sdelay $0x2  }
0x7e: {  	v5 =	vmul.f32 $5.656854150e+00, v5;
	_ =	sdelay $0x1  }
0x7f: {  	[tilespmem:v7+s14+$0x0] =	vst.idx.msk $0xffff, v5  }
0x80: {  	v5 =	vld [tilespmem:s19+$0xFFFFFFF0]  }
0x81: {  	v4 =	vadd.s32 v3, v57  }
0x82: {  	v4 =	vor.u32 v6, v4;
	_ =	sdelay $0x2  }
0x83: {  	v5 =	vmul.f32 $5.656854150e+00, v5  }
0x84: {  	s21 =	sadd.s32 $0x2, s20  }
0x85: {  	v59 =	vmov s21;
	[tilespmem:v4+s14+$0x0] =	vst.idx.msk $0xffff, v5  }
0x86: {  	v60 =	vand.u32 $0x78, v59;
	v5 =	vld [tilespmem:s19+$0x0]  }
0x87: {  	v61 =	vadd.s32 v2, v60;
	v6 =	vand.u32 $0x6, v59  }
0x88: {  	v7 =	vor.u32 v6, v61;
	_ =	sdelay $0x2  }
0x89: {  	v5 =	vmul.f32 $5.656854150e+00, v5;
	_ =	sdelay $0x1  }
0x8a: {  	[tilespmem:v7+s14+$0x0] =	vst.idx.msk $0xffff, v5  }
0x8b: {  	v5 =	vld [tilespmem:s19+$0x10]  }
0x8c: {  	v4 =	vadd.s32 v3, v60  }
0x8d: {  	v4 =	vor.u32 v6, v4;
	_ =	sdelay $0x2  }
0x8e: {  	v5 =	vmul.f32 $5.656854150e+00, v5  }
0x8f: {  	s30 =	sadd.s32 $0x3, s20  }
0x90: {  	v62 =	vmov s30;
	[tilespmem:v4+s14+$0x0] =	vst.idx.msk $0xffff, v5  }
0x91: {  	v63 =	vand.u32 $0x78, v62;
	v5 =	vld [tilespmem:s19+$0x20]  }
0x92: {  	v2 =	vadd.s32 v2, v63;
	v6 =	vand.u32 $0x7, v62  }
0x93: {  	v2 =	vor.u32 v6, v2;
	_ =	sdelay $0x2  }
0x94: {  	v5 =	vmul.f32 $5.656854150e+00, v5;
	_ =	sdelay $0x1  }
0x95: {  	[tilespmem:v2+s14+$0x0] =	vst.idx.msk $0xffff, v5  }
0x96: {  	v2 =	vld [tilespmem:s19+$0x30]  }
0x97: {  	v3 =	vadd.s32 v3, v63  }
0x98: {  	v3 =	vor.u32 v6, v3  }
0x99: {  	s31 =	sshll.u32 s17, $0x14  }
0x9a: {  	s19 =	sor.u32 s6, s31  }
0x9b: {  	s19 =	sshrl.u32 s19, $0x3;
	v2 =	vmul.f32 $5.656854150e+00, v2  }
0x9c: {  	s20 =	simm.s32 $0xE400;
	s19 =	sadd.s32 s1, s19  }
0x9d: {  	s22 =	simm.s32 $0xE488;
	s21 =	simm.s32 $0x10;
	s23 =	sadd.s32 $0x0, s19;
	[tilespmem:v3+s14+$0x0] =	vst.idx.msk $0xffff, v2  }
.LBB2_5:
0x9e: {  	[hbm4b:s23+s3] =	stream.linear.scatter [tilespmem:s20], [sflag:$0x3], $0x80, $0x38;
	[tilespmem:$0x12800] =	vst v63  }
0x9f: {  	s23 =	smov.u32 s21;
	s20 =	smov.u32 s22;
	p0 =	sne.s32 s21, $0x1F0  }
.Ltmp1:
0xa0: {  	s21 =	sadd.s32 $0x10, s21;
	(pc) =	sbr.rel @p0 .LBB2_5-.Ltmp1, $2  }
0xa1: {  	_ =	sdelay $0x2  }
0xa2: {  	s22 =	sadd.s32 $0x88, s22;
	s23 =	sadd.s32 s23, s19  }
0xa3: {  	[hbm4b:s23+s3] =	stream.linear.scatter [tilespmem:s20], [sflag:$0x3], $0x80, $0x38;
	[tilespmem:$0x12800] =	vst v63  }
0xa4: {  	s20 =	sadd.s32 $0x4000, s19;
	s21 =	simm.s32 $0xF500  }
0xa5: {  	s22 =	simm.s32 $0x10;
	s23 =	simm.s32 $0xF588;
	s24 =	sadd.s32 $0x0, s20  }
.LBB2_7:
0xa6: {  	[hbm4b:s24+s3] =	stream.linear.scatter [tilespmem:s21], [sflag:$0x3], $0x80, $0x38;
	[tilespmem:$0x12800] =	vst v63  }
0xa7: {  	s24 =	smov.u32 s22;
	s21 =	smov.u32 s23;
	p0 =	sne.s32 s22, $0x1F0  }
.Ltmp2:
0xa8: {  	s22 =	sadd.s32 $0x10, s22;
	(pc) =	sbr.rel @p0 .LBB2_7-.Ltmp2, $2  }
0xa9: {  	_ =	sdelay $0x2  }
0xaa: {  	s23 =	sadd.s32 $0x88, s23;
	s24 =	sadd.s32 s24, s20  }
0xab: {  	[hbm4b:s24+s3] =	stream.linear.scatter [tilespmem:s21], [sflag:$0x3], $0x80, $0x38;
	[tilespmem:$0x12800] =	vst v63  }
0xac: {  	s20 =	sadd.s32 $0x8000, s19;
	s21 =	simm.s32 $0x10600  }
0xad: {  	s22 =	simm.s32 $0x10;
	s23 =	simm.s32 $0x10688;
	s24 =	sadd.s32 $0x0, s20  }
.LBB2_9:
0xae: {  	[hbm4b:s24+s3] =	stream.linear.scatter [tilespmem:s21], [sflag:$0x3], $0x80, $0x38;
	[tilespmem:$0x12800] =	vst v63  }
0xaf: {  	s24 =	smov.u32 s22;
	s21 =	smov.u32 s23;
	p0 =	sne.s32 s22, $0x1F0  }
.Ltmp3:
0xb0: {  	s22 =	sadd.s32 $0x10, s22;
	(pc) =	sbr.rel @p0 .LBB2_9-.Ltmp3, $2  }
0xb1: {  	_ =	sdelay $0x2  }
0xb2: {  	s23 =	sadd.s32 $0x88, s23;
	s24 =	sadd.s32 s24, s20  }
0xb3: {  	[hbm4b:s24+s3] =	stream.linear.scatter [tilespmem:s21], [sflag:$0x3], $0x80, $0x38;
	[tilespmem:$0x12800] =	vst v63  }
0xb4: {  	s19 =	sadd.s32 $0xC000, s19;
	s20 =	simm.s32 $0x11700  }
0xb5: {  	s21 =	simm.s32 $0x10;
	s22 =	simm.s32 $0x11788;
	s23 =	sadd.s32 $0x0, s19  }
.LBB2_11:
0xb6: {  	[hbm4b:s23+s3] =	stream.linear.scatter [tilespmem:s20], [sflag:$0x3], $0x80, $0x38;
	[tilespmem:$0x12800] =	vst v63  }
0xb7: {  	s23 =	smov.u32 s21;
	s20 =	smov.u32 s22;
	p0 =	sne.s32 s21, $0x1F0  }
.Ltmp4:
0xb8: {  	s21 =	sadd.s32 $0x10, s21;
	(pc) =	sbr.rel @p0 .LBB2_11-.Ltmp4, $2  }
0xb9: {  	_ =	sdelay $0x2  }
0xba: {  	s22 =	sadd.s32 $0x88, s22;
	s23 =	sadd.s32 s23, s19  }
0xbb: {  	[hbm4b:s23+s3] =	stream.linear.scatter [tilespmem:s20], [sflag:$0x3], $0x80, $0x38;
	[tilespmem:$0x12800] =	vst v63  }
0xbc: {  	p0 =	seq.s32 s17, $0x18  }
0xbd: {  	s25 =	simm.s32 $0x0;
	_ =	swait.ge [sflag:s10], $0x4000;
	s19 =	sshll.u32 @!p0 s17, $0xA  }
0xbe: {  	s21 =	simm.s32 @!p0 $0x200;
	[sflag:s10] =	ssyncset.done $0x0;
	s19 =	sand.u32 @!p0 $0x3FFFFC00, s19  }
0xbf: {  	s22 =	simm.s32 @!p0 $0x6400;
	v2 =	vmov s25;
	[sflag:s10] =	ssyncadd.s32 $0xFFFFC000;
	s19 =	sadd.s32 @!p0 $0x400, s19  }
0xc0: {  	v2 =	vmul.u32 $0x440, v2;
	[tilespmem:s22], [sflag:$0x1] =	stream.indirect.gather @!p0 [hbm4b:s4+s21], $0x20, s19, s21, $0xb8;
	[tilespmem:$0x12800] =	vst v63  }
0xc1: {  	_ =	swait.ge [sflag:s15], $0x4000  }
0xc2: {  	s26 =	simm.s32 $0x0;
	v2 =	vbroadcast v2, $0x0;
	[sflag:s15] =	ssyncset.done $0x0  }
0xc3: {  	v3 =	vmov s26;
	s19 =	simm.s32 $0xA440;
	[sflag:s15] =	ssyncadd.s32 $0xFFFFC000  }
0xc4: {  	v6 =	vand.u32 $0x78, v3;
	v4 =	vadd.s32 v0, v2;
	v5 =	vld [tilespmem:s19+$0xFFFFFFC0]  }
0xc5: {  	v3 =	vand.u32 $0x4, v3;
	v7 =	vadd.s32 v6, v4  }
0xc6: {  	v7 =	vor.u32 v3, v7;
	_ =	sdelay $0x2  }
0xc7: {  	v5 =	vmul.f32 $5.656854150e+00, v5;
	_ =	sdelay $0x1  }
0xc8: {  	[tilespmem:v7+s14+$0x0] =	vst.idx.msk $0xffff, v5  }
0xc9: {  	v2 =	vadd.s32 v1, v2;
	v5 =	vld [tilespmem:s19+$0xFFFFFFD0]  }
0xca: {  	v6 =	vadd.s32 v6, v2  }
0xcb: {  	v3 =	vor.u32 v3, v6;
	_ =	sdelay $0x2  }
0xcc: {  	v5 =	vmul.f32 $5.656854150e+00, v5  }
0xcd: {  	s28 =	simm.s32 $0x1  }
0xce: {  	v6 =	vmov s28;
	[tilespmem:v3+s14+$0x0] =	vst.idx.msk $0xffff, v5  }
0xcf: {  	v3 =	vand.u32 $0x78, v6;
	v5 =	vld [tilespmem:s19+$0xFFFFFFE0]  }
0xd0: {  	v6 =	vand.u32 $0x5, v6;
	v7 =	vadd.s32 v4, v3  }
0xd1: {  	v7 =	vor.u32 v6, v7;
	_ =	sdelay $0x2  }
0xd2: {  	v5 =	vmul.f32 $5.656854150e+00, v5;
	_ =	sdelay $0x1  }
0xd3: {  	[tilespmem:v7+s14+$0x0] =	vst.idx.msk $0xffff, v5  }
0xd4: {  	v5 =	vld [tilespmem:s19+$0xFFFFFFF0]  }
0xd5: {  	v3 =	vadd.s32 v2, v3  }
0xd6: {  	v3 =	vor.u32 v6, v3;
	_ =	sdelay $0x2  }
0xd7: {  	v5 =	vmul.f32 $5.656854150e+00, v5  }
0xd8: {  	s29 =	simm.s32 $0x2  }
0xd9: {  	v6 =	vmov s29;
	[tilespmem:v3+s14+$0x0] =	vst.idx.msk $0xffff, v5  }
0xda: {  	v3 =	vand.u32 $0x78, v6;
	v5 =	vld [tilespmem:s19+$0x0]  }
0xdb: {  	v6 =	vand.u32 $0x6, v6;
	v7 =	vadd.s32 v4, v3  }
0xdc: {  	v7 =	vor.u32 v6, v7;
	_ =	sdelay $0x2  }
0xdd: {  	v5 =	vmul.f32 $5.656854150e+00, v5;
	_ =	sdelay $0x1  }
0xde: {  	[tilespmem:v7+s14+$0x0] =	vst.idx.msk $0xffff, v5  }
0xdf: {  	v5 =	vld [tilespmem:s19+$0x10]  }
0xe0: {  	v3 =	vadd.s32 v2, v3  }
0xe1: {  	v3 =	vor.u32 v6, v3;
	_ =	sdelay $0x2  }
0xe2: {  	v5 =	vmul.f32 $5.656854150e+00, v5  }
0xe3: {  	s30 =	simm.s32 $0x3  }
0xe4: {  	v6 =	vmov s30;
	[tilespmem:v3+s14+$0x0] =	vst.idx.msk $0xffff, v5  }
0xe5: {  	v3 =	vand.u32 $0x78, v6;
	v5 =	vld [tilespmem:s19+$0x20]  }
0xe6: {  	v6 =	vand.u32 $0x7, v6;
	v4 =	vadd.s32 v4, v3  }
0xe7: {  	v4 =	vor.u32 v6, v4;
	_ =	sdelay $0x2  }
0xe8: {  	v5 =	vmul.f32 $5.656854150e+00, v5;
	_ =	sdelay $0x1  }
0xe9: {  	[tilespmem:v4+s14+$0x0] =	vst.idx.msk $0xffff, v5  }
0xea: {  	v4 =	vld [tilespmem:s19+$0x30]  }
0xeb: {  	s31 =	simm.s32 $0x0  }
0xec: {  	v2 =	vadd.s32 v2, v3;
	v5 =	vmov s31  }
0xed: {  	v2 =	vor.u32 v6, v2;
	v5 =	vmul.u32 $0x440, v5;
	_ =	sdelay $0x1  }
0xee: {  	s23 =	simm.s32 $0x2;
	s20 =	simm.s32 $0x4;
	s22 =	simm.s32 $0x5;
	v3 =	vbroadcast v5, $0x0;
	v4 =	vmul.f32 $5.656854150e+00, v4  }
.LBB2_13:
0xef: {  	s24 =	sadd.s32 $0x2, s20  }
0xf0: {  	v5 =	vmov s20;
	v6 =	vmov s22;
	s19 =	sadd.s32 $0x80, s19;
	s22 =	smov.u32 s23;
	s21 =	sadd.s32 $0x1, s23  }
0xf1: {  	p0 =	sne.s32 s23, $0x7F;
	s23 =	sadd.s32 $0x3, s20;
	v7 =	vadd.s32 v0, v3;
	v3 =	vadd.s32 v1, v3;
	v8 =	vmov s24;
	[tilespmem:v2+s14+$0x0] =	vst.idx.msk $0xffff, v4  }
0xf2: {  	v4 =	vand.u32 $0x78, v5;
	v5 =	vand.u32 $0x4, v5;
	v9 =	vmov s23;
	v2 =	vld [tilespmem:s19+$0xFFFFFFC0]  }
0xf3: {  	v10 =	vadd.s32 v4, v7;
	v11 =	vand.u32 $0x78, v8;
	v12 =	vand.u32 $0x78, v9  }
0xf4: {  	v10 =	vor.u32 v5, v10;
	v13 =	vadd.s32 v7, v12;
	v12 =	vadd.s32 v3, v12  }
0xf5: {  	v14 =	vand.u32 $0x78, v6;
	v4 =	vadd.s32 v4, v3;
	v15 =	vadd.s32 v7, v11  }
0xf6: {  	v4 =	vor.u32 v5, v4;
	v5 =	vadd.s32 v7, v14;
	v7 =	vadd.s32 v3, v14  }
0xf7: {  	v3 =	vadd.s32 v3, v11;
	v2 =	vmul.f32 $5.656854150e+00, v2;
	_ =	sdelay $0x1  }
0xf8: {  	[tilespmem:v10+s14+$0x0] =	vst.idx.msk $0xffff, v2  }
0xf9: {  	v2 =	vld [tilespmem:s19+$0xFFFFFFD0];
	_ =	sdelay $0x4  }
0xfa: {  	v2 =	vmul.f32 $5.656854150e+00, v2;
	_ =	sdelay $0x1  }
0xfb: {  	[tilespmem:v4+s14+$0x0] =	vst.idx.msk $0xffff, v2  }
0xfc: {  	v4 =	vand.u32 $0x5, v6;
	v2 =	vld [tilespmem:s19+$0xFFFFFFE0];
	_ =	sdelay $0x1  }
0xfd: {  	v5 =	vor.u32 v4, v5;
	_ =	sdelay $0x2  }
0xfe: {  	v2 =	vmul.f32 $5.656854150e+00, v2;
	_ =	sdelay $0x1  }
0xff: {  	[tilespmem:v5+s14+$0x0] =	vst.idx.msk $0xffff, v2  }
0x100: {  	v2 =	vld [tilespmem:s19+$0xFFFFFFF0];
	_ =	sdelay $0x1  }
0x101: {  	v4 =	vor.u32 v4, v7;
	_ =	sdelay $0x2  }
0x102: {  	v2 =	vmul.f32 $5.656854150e+00, v2;
	_ =	sdelay $0x1  }
0x103: {  	[tilespmem:v4+s14+$0x0] =	vst.idx.msk $0xffff, v2  }
0x104: {  	v4 =	vand.u32 $0x6, v8;
	v2 =	vld [tilespmem:s19+$0x0];
	_ =	sdelay $0x1  }
0x105: {  	v5 =	vor.u32 v4, v15;
	_ =	sdelay $0x2  }
0x106: {  	v2 =	vmul.f32 $5.656854150e+00, v2;
	_ =	sdelay $0x1  }
0x107: {  	[tilespmem:v5+s14+$0x0] =	vst.idx.msk $0xffff, v2  }
0x108: {  	v2 =	vld [tilespmem:s19+$0x10];
	_ =	sdelay $0x1  }
0x109: {  	v3 =	vor.u32 v4, v3;
	_ =	sdelay $0x2  }
0x10a: {  	v2 =	vmul.f32 $5.656854150e+00, v2;
	_ =	sdelay $0x1  }
0x10b: {  	[tilespmem:v3+s14+$0x0] =	vst.idx.msk $0xffff, v2  }
0x10c: {  	v3 =	vand.u32 $0x7, v9;
	v2 =	vld [tilespmem:s19+$0x20]  }
0x10d: {  	v4 =	vor.u32 v3, v13;
	_ =	sdelay $0x3  }
0x10e: {  	v2 =	vmul.f32 $5.656854150e+00, v2;
	_ =	sdelay $0x1  }
0x10f: {  	[tilespmem:v4+s14+$0x0] =	vst.idx.msk $0xffff, v2  }
0x110: {  	v4 =	vld [tilespmem:s19+$0x30]  }
.Ltmp5:
0x111: {  	s22 =	sshrl.u32 s22, $0x5;
	v2 =	vor.u32 v3, v12;
	(pc) =	sbr.rel @p0 .LBB2_13-.Ltmp5, $4  }
0x112: {  	v3 =	vmov s22  }
0x113: {  	v3 =	vmul.u32 $0x440, v3  }
0x114: {  	s20 =	sadd.s32 $0x4, s20  }
0x115: {  	s23 =	smov.u32 s21;
	s22 =	sadd.s32 $0x1, s20;
	v3 =	vbroadcast v3, $0x0;
	v4 =	vmul.f32 $5.656854150e+00, v4  }
0x116: {  	_ =	sdelay $0x3  }
0x117: {  	v5 =	vmov s20;
	s19 =	sadd.s32 $0x80, s19;
	[tilespmem:v2+s14+$0x0] =	vst.idx.msk $0xffff, v4  }
0x118: {  	v2 =	vadd.s32 v0, v3;
	v6 =	vand.u32 $0x78, v5;
	v4 =	vld [tilespmem:s19+$0xFFFFFFC0]  }
0x119: {  	v5 =	vand.u32 $0x4, v5;
	v7 =	vadd.s32 v6, v2  }
0x11a: {  	v7 =	vor.u32 v5, v7;
	_ =	sdelay $0x2  }
0x11b: {  	v4 =	vmul.f32 $5.656854150e+00, v4;
	_ =	sdelay $0x1  }
0x11c: {  	[tilespmem:v7+s14+$0x0] =	vst.idx.msk $0xffff, v4  }
0x11d: {  	v3 =	vadd.s32 v1, v3;
	v4 =	vld [tilespmem:s19+$0xFFFFFFD0]  }
0x11e: {  	v6 =	vadd.s32 v6, v3  }
0x11f: {  	v5 =	vor.u32 v5, v6;
	_ =	sdelay $0x2  }
0x120: {  	v4 =	vmul.f32 $5.656854150e+00, v4;
	_ =	sdelay $0x1  }
0x121: {  	v56 =	vmov s22;
	[tilespmem:v5+s14+$0x0] =	vst.idx.msk $0xffff, v4  }
0x122: {  	v57 =	vand.u32 $0x78, v56;
	v5 =	vld [tilespmem:s19+$0xFFFFFFE0]  }
0x123: {  	v58 =	vadd.s32 v2, v57;
	v6 =	vand.u32 $0x5, v56  }
0x124: {  	v7 =	vor.u32 v6, v58;
	_ =	sdelay $0x2  }
0x125: {  	v5 =	vmul.f32 $5.656854150e+00, v5;
	_ =	sdelay $0x1  }
0x126: {  	[tilespmem:v7+s14+$0x0] =	vst.idx.msk $0xffff, v5  }
0x127: {  	v5 =	vld [tilespmem:s19+$0xFFFFFFF0]  }
0x128: {  	v4 =	vadd.s32 v3, v57  }
0x129: {  	v4 =	vor.u32 v6, v4;
	_ =	sdelay $0x2  }
0x12a: {  	v5 =	vmul.f32 $5.656854150e+00, v5  }
0x12b: {  	s21 =	sadd.s32 $0x2, s20  }
0x12c: {  	v59 =	vmov s21;
	[tilespmem:v4+s14+$0x0] =	vst.idx.msk $0xffff, v5  }
0x12d: {  	v60 =	vand.u32 $0x78, v59;
	v5 =	vld [tilespmem:s19+$0x0]  }
0x12e: {  	v61 =	vadd.s32 v2, v60;
	v6 =	vand.u32 $0x6, v59  }
0x12f: {  	v7 =	vor.u32 v6, v61;
	_ =	sdelay $0x2  }
0x130: {  	v5 =	vmul.f32 $5.656854150e+00, v5;
	_ =	sdelay $0x1  }
0x131: {  	[tilespmem:v7+s14+$0x0] =	vst.idx.msk $0xffff, v5  }
0x132: {  	v5 =	vld [tilespmem:s19+$0x10]  }
0x133: {  	v4 =	vadd.s32 v3, v60  }
0x134: {  	v4 =	vor.u32 v6, v4;
	_ =	sdelay $0x2  }
0x135: {  	v5 =	vmul.f32 $5.656854150e+00, v5  }
0x136: {  	s31 =	sadd.s32 $0x3, s20  }
0x137: {  	v62 =	vmov s31;
	[tilespmem:v4+s14+$0x0] =	vst.idx.msk $0xffff, v5  }
0x138: {  	v63 =	vand.u32 $0x78, v62;
	v5 =	vld [tilespmem:s19+$0x20]  }
0x139: {  	v2 =	vadd.s32 v2, v63;
	v6 =	vand.u32 $0x7, v62  }
0x13a: {  	v2 =	vor.u32 v6, v2;
	_ =	sdelay $0x2  }
0x13b: {  	v5 =	vmul.f32 $5.656854150e+00, v5;
	_ =	sdelay $0x1  }
0x13c: {  	[tilespmem:v2+s14+$0x0] =	vst.idx.msk $0xffff, v5  }
0x13d: {  	v2 =	vld [tilespmem:s19+$0x30]  }
0x13e: {  	v3 =	vadd.s32 v3, v63  }
0x13f: {  	v3 =	vor.u32 v6, v3  }
0x140: {  	s18 =	sshll.u32 s18, $0x13  }
0x141: {  	s18 =	sor.u32 s6, s18  }
0x142: {  	s18 =	sshrl.u32 s18, $0x3;
	v2 =	vmul.f32 $5.656854150e+00, v2  }
0x143: {  	s20 =	simm.s32 $0x10;
	s18 =	sadd.s32 s1, s18  }
0x144: {  	s21 =	simm.s32 $0xE488;
	s22 =	sadd.s32 $0x0, s18;
	s19 =	simm.s32 $0xE400;
	[tilespmem:v3+s14+$0x0] =	vst.idx.msk $0xffff, v2  }
.LBB2_15:
0x145: {  	[hbm4b:s22+s3] =	stream.linear.scatter [tilespmem:s19], [sflag:$0x3], $0x80, $0x38;
	[tilespmem:$0x12800] =	vst v63  }
0x146: {  	s22 =	smov.u32 s20;
	s19 =	smov.u32 s21;
	p0 =	sne.s32 s20, $0x1F0  }
.Ltmp6:
0x147: {  	s20 =	sadd.s32 $0x10, s20;
	(pc) =	sbr.rel @p0 .LBB2_15-.Ltmp6, $2  }
0x148: {  	_ =	sdelay $0x2  }
0x149: {  	s21 =	sadd.s32 $0x88, s21;
	s22 =	sadd.s32 s22, s18  }
0x14a: {  	[hbm4b:s22+s3] =	stream.linear.scatter [tilespmem:s19], [sflag:$0x3], $0x80, $0x38;
	[tilespmem:$0x12800] =	vst v63  }
0x14b: {  	s19 =	sadd.s32 $0x4000, s18;
	s20 =	simm.s32 $0xF500  }
0x14c: {  	s21 =	simm.s32 $0x10;
	s22 =	simm.s32 $0xF588;
	s23 =	sadd.s32 $0x0, s19  }
.LBB2_17:
0x14d: {  	[hbm4b:s23+s3] =	stream.linear.scatter [tilespmem:s20], [sflag:$0x3], $0x80, $0x38;
	[tilespmem:$0x12800] =	vst v63  }
0x14e: {  	s23 =	smov.u32 s21;
	s20 =	smov.u32 s22;
	p0 =	sne.s32 s21, $0x1F0  }
.Ltmp7:
0x14f: {  	s21 =	sadd.s32 $0x10, s21;
	(pc) =	sbr.rel @p0 .LBB2_17-.Ltmp7, $2  }
0x150: {  	_ =	sdelay $0x2  }
0x151: {  	s22 =	sadd.s32 $0x88, s22;
	s23 =	sadd.s32 s23, s19  }
0x152: {  	[hbm4b:s23+s3] =	stream.linear.scatter [tilespmem:s20], [sflag:$0x3], $0x80, $0x38;
	[tilespmem:$0x12800] =	vst v63  }
0x153: {  	s19 =	sadd.s32 $0x8000, s18;
	s20 =	simm.s32 $0x10600  }
0x154: {  	s21 =	simm.s32 $0x10;
	s22 =	simm.s32 $0x10688;
	s23 =	sadd.s32 $0x0, s19  }
.LBB2_19:
0x155: {  	[hbm4b:s23+s3] =	stream.linear.scatter [tilespmem:s20], [sflag:$0x3], $0x80, $0x38;
	[tilespmem:$0x12800] =	vst v63  }
0x156: {  	s23 =	smov.u32 s21;
	s20 =	smov.u32 s22;
	p0 =	sne.s32 s21, $0x1F0  }
.Ltmp8:
0x157: {  	s21 =	sadd.s32 $0x10, s21;
	(pc) =	sbr.rel @p0 .LBB2_19-.Ltmp8, $2  }
0x158: {  	_ =	sdelay $0x2  }
0x159: {  	s22 =	sadd.s32 $0x88, s22;
	s23 =	sadd.s32 s23, s19  }
0x15a: {  	[hbm4b:s23+s3] =	stream.linear.scatter [tilespmem:s20], [sflag:$0x3], $0x80, $0x38;
	[tilespmem:$0x12800] =	vst v63  }
0x15b: {  	s18 =	sadd.s32 $0xC000, s18;
	s19 =	simm.s32 $0x11700  }
0x15c: {  	s20 =	simm.s32 $0x10;
	s21 =	simm.s32 $0x11788;
	s22 =	sadd.s32 $0x0, s18  }
.LBB2_21:
0x15d: {  	[hbm4b:s22+s3] =	stream.linear.scatter [tilespmem:s19], [sflag:$0x3], $0x80, $0x38;
	[tilespmem:$0x12800] =	vst v63  }
0x15e: {  	s22 =	smov.u32 s20;
	s19 =	smov.u32 s21;
	p0 =	sne.s32 s20, $0x1F0  }
.Ltmp9:
0x15f: {  	s20 =	sadd.s32 $0x10, s20;
	(pc) =	sbr.rel @p0 .LBB2_21-.Ltmp9, $2  }
0x160: {  	_ =	sdelay $0x2  }
0x161: {  	s21 =	sadd.s32 $0x88, s21;
	s22 =	sadd.s32 s22, s18  }
0x162: {  	s17 =	sadd.s32 $0x1, s17  }
0x163: {  	p0 =	sne.s32 s17, $0x19  }
.Ltmp10:
0x164: {  	_ = 	snop;
	(pc) =	sbr.rel @p0 .LBB2_2-.Ltmp10, $4  }
0x165: {  	[hbm4b:s22+s3] =	stream.linear.scatter [tilespmem:s19], [sflag:$0x3], $0x80, $0x38;
	[tilespmem:$0x12800] =	vst v63  }
0x166: {  	_ =	swait.ge [sflag:s10], $0x4000  }
0x167: {  	[sflag:s10] =	ssyncset.done $0x0  }
0x168: {  	[sflag:s10] =	ssyncadd.s32 $0xFFFFC000  }
0x169: {  	s16 =	sadd.s32 $0x1, s16  }
0x16a: {  	p0 =	sne.s32 s16, s7  }
.Ltmp11:
0x16b: {  	_ = 	snop;
	(pc) =	sbr.rel @p0 .LBB2_1-.Ltmp11, $1  }
0x16c: {  	_ =	sdelay $0x3  }
0x16d: {  	_ =	sfence.sel $0x180000  }
0x16e: {  	[bflag:$0x0] =	sbarrier.arrive $0xFFFF  }
0x16f: {  	p0 =	sne.s32 s2, $0x0;
	_ =	strace $0x90000047  }
0x170: {  	s0 =	sadd.s32 @!p0 $0x100000, s0;
	[bflag:$0x2] =	sbarrier.arrive $0xFFFF  }
0x171: {  	[sflag:s0] =	ssyncadd.tile.s32 @!p0 $0x1;
	_ =	shalt  }
.Lfunc_end2:
_tile_overlayer_lowered:
.L_overlay_start_2:
0x172: {  	(tag) =	ssettag $0x2  }
0x173: {  	s0 =	rddreg [dreg:$0x0];
	s2 =	stileid.u32  }
0x174: {  	s1 =	rddreg [dreg:$0x1];
	p0 =	sne.s32 s2, $0x0  }
0x175: {  	s3 =	rddreg [dreg:$0x2];
	[bflag:$0x3] =	sbarrier.arrive $0xFFFF;
	s2 =	simm.s32 @!p0 $0x1C03  }
0x176: {  	[timem:s3], [sflag:s2] =	dma.local @!p0 [hbm:s0], s1  }
0x177: {  	s0 =	simm.s32 @!p0 $0x3  }
0x178: {  	_ =	swait.ge @!p0 [sflag:s0], s1  }
0x179: {  	s1 =	ssub.s32 @!p0 $0x0, s1;
	[sflag:s0] =	ssyncset.done @!p0 $0x0  }
0x17a: {  	[sflag:s0] =	ssyncadd.s32 @!p0 s1  }
0x17b: {  	[bflag:$0x3] =	sbarrier.arrive $0xFFFF  }
0x17c: {  	_ =	shalt  }

</sc_bundles>
